<compile_context>
chip_gen: v7x
topology: tpu7x:2x2x1
jax: 0.10.2.dev20260603
libtpu: 0.0.44.dev20260713+nightly
codegen_flags: <defaults>
</compile_context>

<pallas_src>
import functools

import jax
import jax.numpy as jnp
from jax import lax
from jax.experimental import pallas as pl
from jax.experimental.pallas import tpu as pltpu
from jax.experimental.pallas import tpu_sc as plsc

N = 100000
C = 128
G = 64
NW = 32

NSC = 48000
RPW = NSC // NW
B = 125
NBLK = RPW // B
CCH = C // 16
NBUF = 2
IDSB = 1528

NTC = N - NSC
RTC = 4000
TSTEPS = NTC // RTC
TOFF = NSC // RTC


def _sc_partials(feat_flat, ids):
    mesh = plsc.VectorSubcoreMesh(core_axis_name="c", subcore_axis_name="s")

    @functools.partial(
        pl.kernel,
        mesh=mesh,
        out_type=(
            jax.ShapeDtypeStruct((NW * G * C,), jnp.float32),
            jax.ShapeDtypeStruct((NW * G,), jnp.float32),
        ),
        scratch_types=[
            pltpu.VMEM((NBUF, B * C), jnp.float32),
            pltpu.VMEM((IDSB,), jnp.int32),
            pltpu.VMEM((G * C,), jnp.float32),
            pltpu.VMEM((G,), jnp.float32),
        ]
        + [pltpu.SemaphoreType.DMA] * (NBUF + 1),
    )
    def k(feat_hbm, ids_hbm, part_hbm, cnt_hbm,
          bufs, idsb, acc, cnt, *sems):
        semi = sems[NBUF]
        wid = lax.axis_index("s") * 2 + lax.axis_index("c")
        row0 = wid * RPW
        start8 = (row0 // 8) * 8
        off = row0 - start8
        zero = jnp.zeros((16,), jnp.float32)
        iota = lax.iota(jnp.int32, 16)

        ids_cp = pltpu.make_async_copy(
            ids_hbm.at[pl.ds(start8, IDSB)], idsb, semi
        )
        ids_cp.start()

        def feat_cp(blk, q):
            return pltpu.make_async_copy(
                feat_hbm.at[pl.ds((row0 + blk * B) * C, B * C)],
                bufs.at[q], sems[q]
            )

        for q in range(NBUF):
            feat_cp(q, q).start()

        def zero_body(i, _):
            acc[pl.ds(i * 16, 16)] = zero
            return 0

        lax.fori_loop(0, G * C // 16, zero_body, 0)
        for q in range(G // 16):
            cnt[pl.ds(q * 16, 16)] = zero
        ids_cp.wait()

        def compute(blk, q):
            buf = bufs.at[q]
            rbase0 = off + blk * B
            id0 = idsb[pl.ds(rbase0, 16)][0]
            id1 = idsb[pl.ds(rbase0 + B - 16, 16)][15]

            @pl.when(id0 == id1)
            def _uniform():
                def row(r, carry):
                    base = r * C
                    return tuple(
                        carry[c] + buf[pl.ds(base + c * 16, 16)]
                        for c in range(CCH)
                    )

                sums = lax.fori_loop(
                    0, B, row, tuple(zero for _ in range(CCH))
                )
                abase = id0 * C
                for c in range(CCH):
                    sl = pl.ds(abase + c * 16, 16)
                    acc[sl] = acc[sl] + sums[c]
                cbase = (id0 // 16) * 16
                csl = pl.ds(cbase, 16)
                cnt[csl] = cnt[csl] + jnp.where(
                    iota + cbase == id0, float(B), 0.0
                )

            @pl.when(id0 != id1)
            def _boundary():
                def row(r, _):
                    idr = idsb[pl.ds(rbase0 + r, 16)][0]
                    abase = idr * C
                    rbase = r * C
                    for c in range(CCH):
                        sl = pl.ds(abase + c * 16, 16)
                        acc[sl] = acc[sl] + buf[pl.ds(rbase + c * 16, 16)]
                    cbase = (idr // 16) * 16
                    csl = pl.ds(cbase, 16)
                    cnt[csl] = cnt[csl] + jnp.where(
                        iota + cbase == idr, 1.0, 0.0
                    )
                    return 0

                lax.fori_loop(0, B, row, 0)

        def ring_body(p, _):
            for q in range(NBUF):
                blk = p * NBUF + q
                feat_cp(blk, q).wait()
                compute(blk, q)

                @pl.when(blk + NBUF < NBLK)
                def _():
                    feat_cp(blk + NBUF, q).start()

            return 0

        lax.fori_loop(0, NBLK // NBUF, ring_body, 0)
        for q in range(NBLK % NBUF):
            blk = (NBLK // NBUF) * NBUF + q
            feat_cp(blk, q).wait()
            compute(blk, q)

        pltpu.sync_copy(acc, part_hbm.at[pl.ds(wid * G * C, G * C)])
        pltpu.sync_copy(cnt, cnt_hbm.at[pl.ds(wid * G, G)])

    return k(feat_flat, ids)


def _tc_partials(feat2d, ids3d):
    def body(ids_ref, feat_ref, part_ref, cnt_ref):
        i = pl.program_id(0)
        ids_b = ids_ref[0, 0, :]
        gids = lax.broadcasted_iota(jnp.int32, (G, RTC), 0)
        onehot = (ids_b[None, :] == gids).astype(jnp.float32)
        psum = jax.lax.dot(
            onehot, feat_ref[...],
            preferred_element_type=jnp.float32,
        )
        pcnt = jnp.sum(onehot, axis=1)

        @pl.when(i == 0)
        def _():
            part_ref[...] = psum
            cnt_ref[...] = pcnt

        @pl.when(i > 0)
        def _():
            part_ref[...] = part_ref[...] + psum
            cnt_ref[...] = cnt_ref[...] + pcnt

    return pl.pallas_call(
        body,
        grid=(TSTEPS,),
        in_specs=[
            pl.BlockSpec((1, 1, RTC), lambda i: (TOFF + i, 0, 0)),
            pl.BlockSpec((RTC, C), lambda i: (TOFF + i, 0)),
        ],
        out_specs=[
            pl.BlockSpec((G, C), lambda i: (0, 0)),
            pl.BlockSpec((G,), lambda i: (0,)),
        ],
        out_shape=[
            jax.ShapeDtypeStruct((G, C), jnp.float32),
            jax.ShapeDtypeStruct((G,), jnp.float32),
        ],
    )(ids3d, feat2d)


def _combine(part, cnt, tc_part, tc_cnt):
    def body(part_ref, cnt_ref, tcp_ref, tcc_ref, out_ref):
        sums = jnp.sum(part_ref[...], axis=0) + tcp_ref[...]
        n = jnp.sum(cnt_ref[...], axis=0) + tcc_ref[...]
        n = jnp.maximum(n, 1.0)
        out_ref[...] = sums / n[:, None]

    return pl.pallas_call(
        body,
        out_shape=jax.ShapeDtypeStruct((G, C), jnp.float32),
    )(part, cnt, tc_part, tc_cnt)


def kernel(feat0, graph_ids):
    feat2d = feat0.reshape(N, C)
    feat_flat = feat0.reshape(N * C)
    ids = graph_ids.astype(jnp.int32)
    ids3d = ids.reshape(N // RTC, 1, RTC)
    part, cnt = _sc_partials(feat_flat, ids)
    tc_part, tc_cnt = _tc_partials(feat2d, ids3d)
    return _combine(
        part.reshape(NW, G, C), cnt.reshape(NW, G), tc_part, tc_cnt
    )

# --- scband reference (transcript-rebuilt; emitter-appended) ---
"""Pipeline reference for scband-gavg-pool-se3-32813550141515 (READ-ONLY COPY).

The authoritative reference and input builder live on the scoring server;
editing this copy changes nothing except your own understanding.
"""

import jax, jax.numpy as jnp
import numpy as np

N_NODES = 100000
N_CH = 128
N_GRAPHS = 64

def setup_inputs(seed: int = 0) -> dict:
    key = jax.random.key(seed)
    k1, k2 = jax.random.split(key)
    feat0 = jax.random.normal(k1, (N_NODES, N_CH, 1), dtype=jnp.float32)
    graph_ids = jnp.sort(jax.random.randint(k2, (N_NODES,), 0, N_GRAPHS, dtype=jnp.int64))
    return {"feat0": feat0, "graph_ids": graph_ids}

def reference(feat0, graph_ids):
    # feat_dict['0'][..., 0]: strip the trailing multiplicity-1 axis of degree-0 features
    node_feats = feat0[..., 0]  # [N, C]
    # DGL AvgPooling over a batched graph == per-graph segment mean
    sums = jax.ops.segment_sum(node_feats, graph_ids, num_segments=N_GRAPHS)  # [G, C]
    counts = jnp.bincount(graph_ids, length=N_GRAPHS).astype(node_feats.dtype)  # [G]
    counts = jnp.maximum(counts, 1.0)
    graph_feats = sums / counts[:, None]  # [G, C]
    return graph_feats

if __name__ == "__main__":
    import jax
    _d = setup_inputs()
    print(jax.jit(kernel)(*tuple(_d.values())))

</pallas_src>

<mosaic_0001>
#map = affine_map<(d0, d1) -> (0)>
module attributes {stable_mosaic.version = 14 : i64} {
  func.func @k(%arg0: i32, %arg1: i32, %arg2: memref<12800000xf32, #tpu.memory_space<hbm>>, %arg3: memref<100000xi32, #tpu.memory_space<hbm>>, %arg4: memref<262144xf32, #tpu.memory_space<hbm>>, %arg5: memref<2048xf32, #tpu.memory_space<hbm>>, %arg6: memref<2x16000xf32, #tpu.memory_space<vmem>>, %arg7: memref<1528xi32, #tpu.memory_space<vmem>>, %arg8: memref<8192xf32, #tpu.memory_space<vmem>>, %arg9: memref<64xf32, #tpu.memory_space<vmem>>, %arg10: memref<!tpu.dma_semaphore, #tpu.memory_space<semaphore_mem>>, %arg11: memref<!tpu.dma_semaphore, #tpu.memory_space<semaphore_mem>>, %arg12: memref<!tpu.dma_semaphore, #tpu.memory_space<semaphore_mem>>) attributes {dimension_semantics = [#tpu.dimension_semantics<core_parallel>, #tpu.dimension_semantics<subcore_parallel>], iteration_bounds = array<i64: 2, 16>, scalar_prefetch = 0 : i64, scratch_operands = 7 : i64, tpu.core_type = #tpu.core_type<sc_vector_subcore>, window_params = [{transform_indices = #map}, {transform_indices = #map}, {transform_indices = #map}, {transform_indices = #map}]} {
    %mul3A = arith.constant 2 : i32
    %mul3A_0 = arith.muli %arg1, %mul3A : i32
    %add3A = arith.addi %mul3A_0, %arg0 : i32
    %mul3A_1 = arith.constant 1500 : i32
    %mul3A_2 = arith.muli %add3A, %mul3A_1 : i32
    %jit3A = arith.constant 8 : i32
    %div3A = arith.divsi %mul3A_2, %jit3A : i32
    %sign3A = arith.constant 0 : i32
    %sign3A_3 = arith.cmpi sgt, %mul3A_2, %sign3A : i32
    %sign3A_4 = arith.extui %sign3A_3 : i1 to i32
    %sign3A_5 = arith.constant 0 : i32
    %sign3A_6 = arith.cmpi slt, %mul3A_2, %sign3A_5 : i32
    %sign3A_7 = arith.extui %sign3A_6 : i1 to i32
    %sign3A_8 = arith.subi %sign3A_4, %sign3A_7 : i32
    %sign3A_9 = arith.constant 0 : i32
    %sign3A_10 = arith.cmpi sgt, %jit3A, %sign3A_9 : i32
    %sign3A_11 = arith.extui %sign3A_10 : i1 to i32
    %sign3A_12 = arith.constant 0 : i32
    %sign3A_13 = arith.cmpi slt, %jit3A, %sign3A_12 : i32
    %sign3A_14 = arith.extui %sign3A_13 : i1 to i32
    %sign3A_15 = arith.subi %sign3A_11, %sign3A_14 : i32
    %ne3A = arith.cmpi ne, %sign3A_8, %sign3A_15 : i32
    %rem3A = arith.remsi %mul3A_2, %jit3A : i32
    %ne3A_16 = arith.constant 0 : i32
    %ne3A_17 = arith.cmpi ne, %rem3A, %ne3A_16 : i32
    %and3A = arith.andi %ne3A, %ne3A_17 : i1
    %sub3A = arith.constant 1 : i32
    %sub3A_18 = arith.subi %div3A, %sub3A : i32
    %select_n3A = arith.select %and3A, %sub3A_18, %div3A : i32
    %mul3A_19 = arith.constant 8 : i32
    %mul3A_20 = arith.muli %select_n3A, %mul3A_19 : i32
    %sub3A_21 = arith.subi %mul3A_2, %mul3A_20 : i32
    %broadcast_in_dim3A = arith.constant 0.000000e+00 : f32
    %broadcast_in_dim3A_22 = vector.broadcast %broadcast_in_dim3A : f32 to vector<16xf32>
    %iota3A = tpu.iota {dimensions = array<i32: 0>} : vector<16xi32>
    %dma_start3A = tpu.memref_slice %arg3[%mul3A_20] : memref<100000xi32, #tpu.memory_space<hbm>> -> memref<1528xi32, #tpu.memory_space<hbm>>
    %dma_start3A_23 = tpu.memref_slice %arg3[%mul3A_20] : memref<100000xi32, #tpu.memory_space<hbm>> -> memref<1528xi32, #tpu.memory_space<hbm>>
    tpu.enqueue_dma source(%dma_start3A_23 : memref<1528xi32, #tpu.memory_space<hbm>>) target(%arg7 : memref<1528xi32, #tpu.memory_space<vmem>>) target_semaphore(%arg12 : memref<!tpu.dma_semaphore, #tpu.memory_space<semaphore_mem>>)
    %add3A_24 = arith.constant 0 : i32
    %add3A_25 = arith.addi %mul3A_2, %add3A_24 : i32
    %mul3A_26 = arith.constant 128 : i32
    %mul3A_27 = arith.muli %add3A_25, %mul3A_26 : i32
    %dma_start3A_28 = arith.constant 0 : i32
    %dma_start3A_29 = arith.constant 0 : i32
    %dma_start3A_30 = tpu.memref_slice %arg6[%dma_start3A_28, %dma_start3A_29] : memref<2x16000xf32, #tpu.memory_space<vmem>> -> memref<1x16000xf32, #tpu.memory_space<vmem>>
    %dma_start3A_31 = tpu.memref_squeeze %dma_start3A_30 : memref<1x16000xf32, #tpu.memory_space<vmem>> -> memref<16000xf32, #tpu.memory_space<vmem>>
    %dma_start3A_32 = tpu.memref_slice %arg2[%mul3A_27] : memref<12800000xf32, #tpu.memory_space<hbm>> -> memref<16000xf32, #tpu.memory_space<hbm>>
    %dma_start3A_33 = arith.constant 0 : i32
    %dma_start3A_34 = tpu.memref_slice %arg6[%dma_start3A_28, %dma_start3A_33] : memref<2x16000xf32, #tpu.memory_space<vmem>> -> memref<1x16000xf32, #tpu.memory_space<vmem>>
    %dma_start3A_35 = tpu.memref_squeeze %dma_start3A_34 : memref<1x16000xf32, #tpu.memory_space<vmem>> -> memref<16000xf32, #tpu.memory_space<vmem>>
    %dma_start3A_36 = tpu.memref_slice %arg2[%mul3A_27] : memref<12800000xf32, #tpu.memory_space<hbm>> -> memref<16000xf32, #tpu.memory_space<hbm>>
    tpu.enqueue_dma source(%dma_start3A_36 : memref<16000xf32, #tpu.memory_space<hbm>>) target(%dma_start3A_35 : memref<16000xf32, #tpu.memory_space<vmem>>) target_semaphore(%arg10 : memref<!tpu.dma_semaphore, #tpu.memory_space<semaphore_mem>>)
    %add3A_37 = arith.constant 125 : i32
    %add3A_38 = arith.addi %mul3A_2, %add3A_37 : i32
    %mul3A_39 = arith.constant 128 : i32
    %mul3A_40 = arith.muli %add3A_38, %mul3A_39 : i32
    %dma_start3A_41 = arith.constant 1 : i32
    %dma_start3A_42 = arith.constant 0 : i32
    %dma_start3A_43 = tpu.memref_slice %arg6[%dma_start3A_41, %dma_start3A_42] : memref<2x16000xf32, #tpu.memory_space<vmem>> -> memref<1x16000xf32, #tpu.memory_space<vmem>>
    %dma_start3A_44 = tpu.memref_squeeze %dma_start3A_43 : memref<1x16000xf32, #tpu.memory_space<vmem>> -> memref<16000xf32, #tpu.memory_space<vmem>>
    %dma_start3A_45 = tpu.memref_slice %arg2[%mul3A_40] : memref<12800000xf32, #tpu.memory_space<hbm>> -> memref<16000xf32, #tpu.memory_space<hbm>>
    %dma_start3A_46 = arith.constant 0 : i32
    %dma_start3A_47 = tpu.memref_slice %arg6[%dma_start3A_41, %dma_start3A_46] : memref<2x16000xf32, #tpu.memory_space<vmem>> -> memref<1x16000xf32, #tpu.memory_space<vmem>>
    %dma_start3A_48 = tpu.memref_squeeze %dma_start3A_47 : memref<1x16000xf32, #tpu.memory_space<vmem>> -> memref<16000xf32, #tpu.memory_space<vmem>>
    %dma_start3A_49 = tpu.memref_slice %arg2[%mul3A_40] : memref<12800000xf32, #tpu.memory_space<hbm>> -> memref<16000xf32, #tpu.memory_space<hbm>>
    tpu.enqueue_dma source(%dma_start3A_49 : memref<16000xf32, #tpu.memory_space<hbm>>) target(%dma_start3A_48 : memref<16000xf32, #tpu.memory_space<vmem>>) target_semaphore(%arg11 : memref<!tpu.dma_semaphore, #tpu.memory_space<semaphore_mem>>)
    %scan3A = arith.constant 0 : i32
    %scan3A_50 = arith.constant 0 : i32
    %scan3A_51 = arith.constant 512 : i32
    %scan3A_52 = arith.addi %scan3A_50, %scan3A_51 : i32
    %scan3A_53 = arith.constant 1 : i32
    %scan3A_54 = scf.for %scan3A_85 = %scan3A_50 to %scan3A_52 step %scan3A_53 iter_args(%scan3A_86 = %scan3A) -> (i32)  : i32 {
      %mul3A_87 = arith.constant 16 : i32
      %mul3A_88 = arith.muli %scan3A_85, %mul3A_87 : i32
      %swap3A_89 = arith.index_cast %mul3A_88 : i32 to index
      %swap3A_90 = tpu.vector_load %arg8[%swap3A_89] {strides = array<i32>} : memref<8192xf32, #tpu.memory_space<vmem>>, vector<16xf32>,
      %swap3A_91 = vector.shape_cast %swap3A_90 : vector<16xf32> to vector<16xf32>
      %swap3A_92 = vector.shape_cast %broadcast_in_dim3A_22 : vector<16xf32> to vector<16xf32>
      tpu.vector_store %arg8[%swap3A_89], %swap3A_92 {strides = array<i32>} : memref<8192xf32, #tpu.memory_space<vmem>>, vector<16xf32>,
      %scan3A_93 = arith.constant 0 : i32
      scf.yield %scan3A_93 : i32
    }
    %scan3A_55 = arith.constant 512 : i32
    %swap3A = arith.constant 0 : index
    %swap3A_56 = tpu.vector_load %arg9[%swap3A] {strides = array<i32>} : memref<64xf32, #tpu.memory_space<vmem>>, vector<16xf32>,
    %swap3A_57 = vector.shape_cast %swap3A_56 : vector<16xf32> to vector<16xf32>
    %swap3A_58 = vector.shape_cast %broadcast_in_dim3A_22 : vector<16xf32> to vector<16xf32>
    tpu.vector_store %arg9[%swap3A], %swap3A_58 {strides = array<i32>} : memref<64xf32, #tpu.memory_space<vmem>>, vector<16xf32>,
    %swap3A_59 = arith.constant 16 : index
    %swap3A_60 = tpu.vector_load %arg9[%swap3A_59] {strides = array<i32>} : memref<64xf32, #tpu.memory_space<vmem>>, vector<16xf32>,
    %swap3A_61 = vector.shape_cast %swap3A_60 : vector<16xf32> to vector<16xf32>
    %swap3A_62 = vector.shape_cast %broadcast_in_dim3A_22 : vector<16xf32> to vector<16xf32>
    tpu.vector_store %arg9[%swap3A_59], %swap3A_62 {strides = array<i32>} : memref<64xf32, #tpu.memory_space<vmem>>, vector<16xf32>,
    %swap3A_63 = arith.constant 32 : index
    %swap3A_64 = tpu.vector_load %arg9[%swap3A_63] {strides = array<i32>} : memref<64xf32, #tpu.memory_space<vmem>>, vector<16xf32>,
    %swap3A_65 = vector.shape_cast %swap3A_64 : vector<16xf32> to vector<16xf32>
    %swap3A_66 = vector.shape_cast %broadcast_in_dim3A_22 : vector<16xf32> to vector<16xf32>
    tpu.vector_store %arg9[%swap3A_63], %swap3A_66 {strides = array<i32>} : memref<64xf32, #tpu.memory_space<vmem>>, vector<16xf32>,
    %swap3A_67 = arith.constant 48 : index
    %swap3A_68 = tpu.vector_load %arg9[%swap3A_67] {strides = array<i32>} : memref<64xf32, #tpu.memory_space<vmem>>, vector<16xf32>,
    %swap3A_69 = vector.shape_cast %swap3A_68 : vector<16xf32> to vector<16xf32>
    %swap3A_70 = vector.shape_cast %broadcast_in_dim3A_22 : vector<16xf32> to vector<16xf32>
    tpu.vector_store %arg9[%swap3A_67], %swap3A_70 {strides = array<i32>} : memref<64xf32, #tpu.memory_space<vmem>>, vector<16xf32>,
    %dma_wait3A = tpu.memref_slice %arg3[%mul3A_20] : memref<100000xi32, #tpu.memory_space<hbm>> -> memref<1528xi32, #tpu.memory_space<hbm>>
    %dma_wait3A_71 = tpu.memref_slice %arg3[%mul3A_20] : memref<100000xi32, #tpu.memory_space<hbm>> -> memref<1528xi32, #tpu.memory_space<hbm>>
    tpu.wait_dma2 semaphore(%arg12 : memref<!tpu.dma_semaphore, #tpu.memory_space<semaphore_mem>>) src(%dma_wait3A_71 : memref<1528xi32, #tpu.memory_space<hbm>>) dst(%arg7 : memref<1528xi32, #tpu.memory_space<vmem>>)
    %scan3A_72 = arith.constant 0 : i32
    %scan3A_73 = arith.constant 0 : i32
    %scan3A_74 = arith.constant 6 : i32
    %scan3A_75 = arith.addi %scan3A_73, %scan3A_74 : i32
    %scan3A_76 = arith.constant 1 : i32
    %scan3A_77 = scf.for %scan3A_85 = %scan3A_73 to %scan3A_75 step %scan3A_76 iter_args(%scan3A_86 = %scan3A_72) -> (i32)  : i32 {
      %mul3A_87 = arith.constant 2 : i32
      %mul3A_88 = arith.muli %scan3A_85, %mul3A_87 : i32
      %add3A_89 = arith.constant 0 : i32
      %add3A_90 = arith.addi %mul3A_88, %add3A_89 : i32
      %mul3A_91 = arith.constant 125 : i32
      %mul3A_92 = arith.muli %add3A_90, %mul3A_91 : i32
      %add3A_93 = arith.addi %mul3A_2, %mul3A_92 : i32
      %mul3A_94 = arith.constant 128 : i32
      %mul3A_95 = arith.muli %add3A_93, %mul3A_94 : i32
      %dma_wait3A_96 = arith.constant 0 : i32
      %dma_wait3A_97 = arith.constant 0 : i32
      %dma_wait3A_98 = tpu.memref_slice %arg6[%dma_wait3A_96, %dma_wait3A_97] : memref<2x16000xf32, #tpu.memory_space<vmem>> -> memref<1x16000xf32, #tpu.memory_space<vmem>>
      %dma_wait3A_99 = tpu.memref_squeeze %dma_wait3A_98 : memref<1x16000xf32, #tpu.memory_space<vmem>> -> memref<16000xf32, #tpu.memory_space<vmem>>
      %dma_wait3A_100 = tpu.memref_slice %arg2[%mul3A_95] : memref<12800000xf32, #tpu.memory_space<hbm>> -> memref<16000xf32, #tpu.memory_space<hbm>>
      %dma_wait3A_101 = arith.constant 0 : i32
      %dma_wait3A_102 = tpu.memref_slice %arg6[%dma_wait3A_96, %dma_wait3A_101] : memref<2x16000xf32, #tpu.memory_space<vmem>> -> memref<1x16000xf32, #tpu.memory_space<vmem>>
      %dma_wait3A_103 = tpu.memref_squeeze %dma_wait3A_102 : memref<1x16000xf32, #tpu.memory_space<vmem>> -> memref<16000xf32, #tpu.memory_space<vmem>>
      %dma_wait3A_104 = tpu.memref_slice %arg2[%mul3A_95] : memref<12800000xf32, #tpu.memory_space<hbm>> -> memref<16000xf32, #tpu.memory_space<hbm>>
      tpu.wait_dma2 semaphore(%arg10 : memref<!tpu.dma_semaphore, #tpu.memory_space<semaphore_mem>>) src(%dma_wait3A_104 : memref<16000xf32, #tpu.memory_space<hbm>>) dst(%dma_wait3A_103 : memref<16000xf32, #tpu.memory_space<vmem>>)
      %mul3A_105 = arith.constant 125 : i32
      %mul3A_106 = arith.muli %add3A_90, %mul3A_105 : i32
      %add3A_107 = arith.addi %sub3A_21, %mul3A_106 : i32
      %get3A = arith.index_cast %add3A_107 : i32 to index
      %get3A_108 = tpu.vector_load %arg7[%get3A] {strides = array<i32>} : memref<1528xi32, #tpu.memory_space<vmem>>, vector<16xi32>,
      %get3A_109 = vector.shape_cast %get3A_108 : vector<16xi32> to vector<16xi32>
      %slice3A = vector.extract_strided_slice %get3A_109 {offsets = [0], sizes = [1], strides = [1]} : vector<16xi32> to vector<1xi32>
      %squeeze3A = vector.extract %slice3A[0] : i32 from vector<1xi32>
      %add3A_110 = arith.constant 125 : i32
      %add3A_111 = arith.addi %add3A_107, %add3A_110 : i32
      %sub3A_112 = arith.constant 16 : i32
      %sub3A_113 = arith.subi %add3A_111, %sub3A_112 : i32
      %get3A_114 = arith.index_cast %sub3A_113 : i32 to index
      %get3A_115 = tpu.vector_load %arg7[%get3A_114] {strides = array<i32>} : memref<1528xi32, #tpu.memory_space<vmem>>, vector<16xi32>,
      %get3A_116 = vector.shape_cast %get3A_115 : vector<16xi32> to vector<16xi32>
      %slice3A_117 = vector.extract_strided_slice %get3A_116 {offsets = [15], sizes = [1], strides = [1]} : vector<16xi32> to vector<1xi32>
      %squeeze3A_118 = vector.extract %slice3A_117[0] : i32 from vector<1xi32>
      %eq3A = arith.cmpi eq, %squeeze3A, %squeeze3A_118 : i32
      %convert_element_type3A = arith.extui %eq3A : i1 to i32
      %cond3A = arith.constant 0 : i32
      %cond3A_119 = arith.constant 0 : i32
      %cond3A_120 = arith.cmpi ne, %convert_element_type3A, %cond3A_119 : i32
      scf.if %cond3A_120 {
        %scan3A_185 = arith.constant 0 : i32
        %scan3A_186 = arith.constant 125 : i32
        %scan3A_187 = arith.addi %scan3A_185, %scan3A_186 : i32
        %scan3A_188 = arith.constant 1 : i32
        %scan3A_189:8 = scf.for %scan3A_316 = %scan3A_185 to %scan3A_187 step %scan3A_188 iter_args(%scan3A_317 = %broadcast_in_dim3A_22, %scan3A_318 = %broadcast_in_dim3A_22, %scan3A_319 = %broadcast_in_dim3A_22, %scan3A_320 = %broadcast_in_dim3A_22, %scan3A_321 = %broadcast_in_dim3A_22, %scan3A_322 = %broadcast_in_dim3A_22, %scan3A_323 = %broadcast_in_dim3A_22, %scan3A_324 = %broadcast_in_dim3A_22) -> (vector<16xf32>, vector<16xf32>, vector<16xf32>, vector<16xf32>, vector<16xf32>, vector<16xf32>, vector<16xf32>, vector<16xf32>)  : i32 {
          %mul3A_325 = arith.constant 128 : i32
          %mul3A_326 = arith.muli %scan3A_316, %mul3A_325 : i32
          %add3A_327 = arith.constant 0 : i32
          %add3A_328 = arith.addi %mul3A_326, %add3A_327 : i32
          %get3A_329 = arith.constant 0 : i32
          %get3A_330 = tpu.memref_slice %arg6[%cond3A, %get3A_329] : memref<2x16000xf32, #tpu.memory_space<vmem>> -> memref<1x16000xf32, #tpu.memory_space<vmem>>
          %get3A_331 = tpu.memref_squeeze %get3A_330 : memref<1x16000xf32, #tpu.memory_space<vmem>> -> memref<16000xf32, #tpu.memory_space<vmem>>
          %get3A_332 = arith.index_cast %add3A_328 : i32 to index
          %get3A_333 = tpu.vector_load %get3A_331[%get3A_332] {strides = array<i32>} : memref<16000xf32, #tpu.memory_space<vmem>>, vector<16xf32>,
          %get3A_334 = vector.shape_cast %get3A_333 : vector<16xf32> to vector<16xf32>
          %add3A_335 = arith.addf %scan3A_317, %get3A_334 : vector<16xf32>
          %add3A_336 = arith.constant 16 : i32
          %add3A_337 = arith.addi %mul3A_326, %add3A_336 : i32
          %get3A_338 = arith.constant 0 : i32
          %get3A_339 = tpu.memref_slice %arg6[%cond3A, %get3A_338] : memref<2x16000xf32, #tpu.memory_space<vmem>> -> memref<1x16000xf32, #tpu.memory_space<vmem>>
          %get3A_340 = tpu.memref_squeeze %get3A_339 : memref<1x16000xf32, #tpu.memory_space<vmem>> -> memref<16000xf32, #tpu.memory_space<vmem>>
          %get3A_341 = arith.index_cast %add3A_337 : i32 to index
          %get3A_342 = tpu.vector_load %get3A_340[%get3A_341] {strides = array<i32>} : memref<16000xf32, #tpu.memory_space<vmem>>, vector<16xf32>,
          %get3A_343 = vector.shape_cast %get3A_342 : vector<16xf32> to vector<16xf32>
          %add3A_344 = arith.addf %scan3A_318, %get3A_343 : vector<16xf32>
          %add3A_345 = arith.constant 32 : i32
          %add3A_346 = arith.addi %mul3A_326, %add3A_345 : i32
          %get3A_347 = arith.constant 0 : i32
          %get3A_348 = tpu.memref_slice %arg6[%cond3A, %get3A_347] : memref<2x16000xf32, #tpu.memory_space<vmem>> -> memref<1x16000xf32, #tpu.memory_space<vmem>>
          %get3A_349 = tpu.memref_squeeze %get3A_348 : memref<1x16000xf32, #tpu.memory_space<vmem>> -> memref<16000xf32, #tpu.memory_space<vmem>>
          %get3A_350 = arith.index_cast %add3A_346 : i32 to index
          %get3A_351 = tpu.vector_load %get3A_349[%get3A_350] {strides = array<i32>} : memref<16000xf32, #tpu.memory_space<vmem>>, vector<16xf32>,
          %get3A_352 = vector.shape_cast %get3A_351 : vector<16xf32> to vector<16xf32>
          %add3A_353 = arith.addf %scan3A_319, %get3A_352 : vector<16xf32>
          %add3A_354 = arith.constant 48 : i32
          %add3A_355 = arith.addi %mul3A_326, %add3A_354 : i32
          %get3A_356 = arith.constant 0 : i32
          %get3A_357 = tpu.memref_slice %arg6[%cond3A, %get3A_356] : memref<2x16000xf32, #tpu.memory_space<vmem>> -> memref<1x16000xf32, #tpu.memory_space<vmem>>
          %get3A_358 = tpu.memref_squeeze %get3A_357 : memref<1x16000xf32, #tpu.memory_space<vmem>> -> memref<16000xf32, #tpu.memory_space<vmem>>
          %get3A_359 = arith.index_cast %add3A_355 : i32 to index
          %get3A_360 = tpu.vector_load %get3A_358[%get3A_359] {strides = array<i32>} : memref<16000xf32, #tpu.memory_space<vmem>>, vector<16xf32>,
          %get3A_361 = vector.shape_cast %get3A_360 : vector<16xf32> to vector<16xf32>
          %add3A_362 = arith.addf %scan3A_320, %get3A_361 : vector<16xf32>
          %add3A_363 = arith.constant 64 : i32
          %add3A_364 = arith.addi %mul3A_326, %add3A_363 : i32
          %get3A_365 = arith.constant 0 : i32
          %get3A_366 = tpu.memref_slice %arg6[%cond3A, %get3A_365] : memref<2x16000xf32, #tpu.memory_space<vmem>> -> memref<1x16000xf32, #tpu.memory_space<vmem>>
          %get3A_367 = tpu.memref_squeeze %get3A_366 : memref<1x16000xf32, #tpu.memory_space<vmem>> -> memref<16000xf32, #tpu.memory_space<vmem>>
          %get3A_368 = arith.index_cast %add3A_364 : i32 to index
          %get3A_369 = tpu.vector_load %get3A_367[%get3A_368] {strides = array<i32>} : memref<16000xf32, #tpu.memory_space<vmem>>, vector<16xf32>,
          %get3A_370 = vector.shape_cast %get3A_369 : vector<16xf32> to vector<16xf32>
          %add3A_371 = arith.addf %scan3A_321, %get3A_370 : vector<16xf32>
          %add3A_372 = arith.constant 80 : i32
          %add3A_373 = arith.addi %mul3A_326, %add3A_372 : i32
          %get3A_374 = arith.constant 0 : i32
          %get3A_375 = tpu.memref_slice %arg6[%cond3A, %get3A_374] : memref<2x16000xf32, #tpu.memory_space<vmem>> -> memref<1x16000xf32, #tpu.memory_space<vmem>>
          %get3A_376 = tpu.memref_squeeze %get3A_375 : memref<1x16000xf32, #tpu.memory_space<vmem>> -> memref<16000xf32, #tpu.memory_space<vmem>>
          %get3A_377 = arith.index_cast %add3A_373 : i32 to index
          %get3A_378 = tpu.vector_load %get3A_376[%get3A_377] {strides = array<i32>} : memref<16000xf32, #tpu.memory_space<vmem>>, vector<16xf32>,
          %get3A_379 = vector.shape_cast %get3A_378 : vector<16xf32> to vector<16xf32>
          %add3A_380 = arith.addf %scan3A_322, %get3A_379 : vector<16xf32>
          %add3A_381 = arith.constant 96 : i32
          %add3A_382 = arith.addi %mul3A_326, %add3A_381 : i32
          %get3A_383 = arith.constant 0 : i32
          %get3A_384 = tpu.memref_slice %arg6[%cond3A, %get3A_383] : memref<2x16000xf32, #tpu.memory_space<vmem>> -> memref<1x16000xf32, #tpu.memory_space<vmem>>
          %get3A_385 = tpu.memref_squeeze %get3A_384 : memref<1x16000xf32, #tpu.memory_space<vmem>> -> memref<16000xf32, #tpu.memory_space<vmem>>
          %get3A_386 = arith.index_cast %add3A_382 : i32 to index
          %get3A_387 = tpu.vector_load %get3A_385[%get3A_386] {strides = array<i32>} : memref<16000xf32, #tpu.memory_space<vmem>>, vector<16xf32>,
          %get3A_388 = vector.shape_cast %get3A_387 : vector<16xf32> to vector<16xf32>
          %add3A_389 = arith.addf %scan3A_323, %get3A_388 : vector<16xf32>
          %add3A_390 = arith.constant 112 : i32
          %add3A_391 = arith.addi %mul3A_326, %add3A_390 : i32
          %get3A_392 = arith.constant 0 : i32
          %get3A_393 = tpu.memref_slice %arg6[%cond3A, %get3A_392] : memref<2x16000xf32, #tpu.memory_space<vmem>> -> memref<1x16000xf32, #tpu.memory_space<vmem>>
          %get3A_394 = tpu.memref_squeeze %get3A_393 : memref<1x16000xf32, #tpu.memory_space<vmem>> -> memref<16000xf32, #tpu.memory_space<vmem>>
          %get3A_395 = arith.index_cast %add3A_391 : i32 to index
          %get3A_396 = tpu.vector_load %get3A_394[%get3A_395] {strides = array<i32>} : memref<16000xf32, #tpu.memory_space<vmem>>, vector<16xf32>,
          %get3A_397 = vector.shape_cast %get3A_396 : vector<16xf32> to vector<16xf32>
          %add3A_398 = arith.addf %scan3A_324, %get3A_397 : vector<16xf32>
          scf.yield %add3A_335, %add3A_344, %add3A_353, %add3A_362, %add3A_371, %add3A_380, %add3A_389, %add3A_398 : vector<16xf32>, vector<16xf32>, vector<16xf32>, vector<16xf32>, vector<16xf32>, vector<16xf32>, vector<16xf32>, vector<16xf32>
        }
        %scan3A_190 = arith.constant 125 : i32
        %mul3A_191 = arith.constant 128 : i32
        %mul3A_192 = arith.muli %squeeze3A, %mul3A_191 : i32
        %add3A_193 = arith.constant 0 : i32
        %add3A_194 = arith.addi %mul3A_192, %add3A_193 : i32
        %get3A_195 = arith.index_cast %add3A_194 : i32 to index
        %get3A_196 = tpu.vector_load %arg8[%get3A_195] {strides = array<i32>} : memref<8192xf32, #tpu.memory_space<vmem>>, vector<16xf32>,
        %get3A_197 = vector.shape_cast %get3A_196 : vector<16xf32> to vector<16xf32>
        %add3A_198 = arith.addf %get3A_197, %scan3A_189#0 : vector<16xf32>
        %swap3A_199 = arith.index_cast %add3A_194 : i32 to index
        %swap3A_200 = tpu.vector_load %arg8[%swap3A_199] {strides = array<i32>} : memref<8192xf32, #tpu.memory_space<vmem>>, vector<16xf32>,
        %swap3A_201 = vector.shape_cast %swap3A_200 : vector<16xf32> to vector<16xf32>
        %swap3A_202 = vector.shape_cast %add3A_198 : vector<16xf32> to vector<16xf32>
        tpu.vector_store %arg8[%swap3A_199], %swap3A_202 {strides = array<i32>} : memref<8192xf32, #tpu.memory_space<vmem>>, vector<16xf32>,
        %add3A_203 = arith.constant 16 : i32
        %add3A_204 = arith.addi %mul3A_192, %add3A_203 : i32
        %get3A_205 = arith.index_cast %add3A_204 : i32 to index
        %get3A_206 = tpu.vector_load %arg8[%get3A_205] {strides = array<i32>} : memref<8192xf32, #tpu.memory_space<vmem>>, vector<16xf32>,
        %get3A_207 = vector.shape_cast %get3A_206 : vector<16xf32> to vector<16xf32>
        %add3A_208 = arith.addf %get3A_207, %scan3A_189#1 : vector<16xf32>
        %swap3A_209 = arith.index_cast %add3A_204 : i32 to index
        %swap3A_210 = tpu.vector_load %arg8[%swap3A_209] {strides = array<i32>} : memref<8192xf32, #tpu.memory_space<vmem>>, vector<16xf32>,
        %swap3A_211 = vector.shape_cast %swap3A_210 : vector<16xf32> to vector<16xf32>
        %swap3A_212 = vector.shape_cast %add3A_208 : vector<16xf32> to vector<16xf32>
        tpu.vector_store %arg8[%swap3A_209], %swap3A_212 {strides = array<i32>} : memref<8192xf32, #tpu.memory_space<vmem>>, vector<16xf32>,
        %add3A_213 = arith.constant 32 : i32
        %add3A_214 = arith.addi %mul3A_192, %add3A_213 : i32
        %get3A_215 = arith.index_cast %add3A_214 : i32 to index
        %get3A_216 = tpu.vector_load %arg8[%get3A_215] {strides = array<i32>} : memref<8192xf32, #tpu.memory_space<vmem>>, vector<16xf32>,
        %get3A_217 = vector.shape_cast %get3A_216 : vector<16xf32> to vector<16xf32>
        %add3A_218 = arith.addf %get3A_217, %scan3A_189#2 : vector<16xf32>
        %swap3A_219 = arith.index_cast %add3A_214 : i32 to index
        %swap3A_220 = tpu.vector_load %arg8[%swap3A_219] {strides = array<i32>} : memref<8192xf32, #tpu.memory_space<vmem>>, vector<16xf32>,
        %swap3A_221 = vector.shape_cast %swap3A_220 : vector<16xf32> to vector<16xf32>
        %swap3A_222 = vector.shape_cast %add3A_218 : vector<16xf32> to vector<16xf32>
        tpu.vector_store %arg8[%swap3A_219], %swap3A_222 {strides = array<i32>} : memref<8192xf32, #tpu.memory_space<vmem>>, vector<16xf32>,
        %add3A_223 = arith.constant 48 : i32
        %add3A_224 = arith.addi %mul3A_192, %add3A_223 : i32
        %get3A_225 = arith.index_cast %add3A_224 : i32 to index
        %get3A_226 = tpu.vector_load %arg8[%get3A_225] {strides = array<i32>} : memref<8192xf32, #tpu.memory_space<vmem>>, vector<16xf32>,
        %get3A_227 = vector.shape_cast %get3A_226 : vector<16xf32> to vector<16xf32>
        %add3A_228 = arith.addf %get3A_227, %scan3A_189#3 : vector<16xf32>
        %swap3A_229 = arith.index_cast %add3A_224 : i32 to index
        %swap3A_230 = tpu.vector_load %arg8[%swap3A_229] {strides = array<i32>} : memref<8192xf32, #tpu.memory_space<vmem>>, vector<16xf32>,
        %swap3A_231 = vector.shape_cast %swap3A_230 : vector<16xf32> to vector<16xf32>
        %swap3A_232 = vector.shape_cast %add3A_228 : vector<16xf32> to vector<16xf32>
        tpu.vector_store %arg8[%swap3A_229], %swap3A_232 {strides = array<i32>} : memref<8192xf32, #tpu.memory_space<vmem>>, vector<16xf32>,
        %add3A_233 = arith.constant 64 : i32
        %add3A_234 = arith.addi %mul3A_192, %add3A_233 : i32
        %get3A_235 = arith.index_cast %add3A_234 : i32 to index
        %get3A_236 = tpu.vector_load %arg8[%get3A_235] {strides = array<i32>} : memref<8192xf32, #tpu.memory_space<vmem>>, vector<16xf32>,
        %get3A_237 = vector.shape_cast %get3A_236 : vector<16xf32> to vector<16xf32>
        %add3A_238 = arith.addf %get3A_237, %scan3A_189#4 : vector<16xf32>
        %swap3A_239 = arith.index_cast %add3A_234 : i32 to index
        %swap3A_240 = tpu.vector_load %arg8[%swap3A_239] {strides = array<i32>} : memref<8192xf32, #tpu.memory_space<vmem>>, vector<16xf32>,
        %swap3A_241 = vector.shape_cast %swap3A_240 : vector<16xf32> to vector<16xf32>
        %swap3A_242 = vector.shape_cast %add3A_238 : vector<16xf32> to vector<16xf32>
        tpu.vector_store %arg8[%swap3A_239], %swap3A_242 {strides = array<i32>} : memref<8192xf32, #tpu.memory_space<vmem>>, vector<16xf32>,
        %add3A_243 = arith.constant 80 : i32
        %add3A_244 = arith.addi %mul3A_192, %add3A_243 : i32
        %get3A_245 = arith.index_cast %add3A_244 : i32 to index
        %get3A_246 = tpu.vector_load %arg8[%get3A_245] {strides = array<i32>} : memref<8192xf32, #tpu.memory_space<vmem>>, vector<16xf32>,
        %get3A_247 = vector.shape_cast %get3A_246 : vector<16xf32> to vector<16xf32>
        %add3A_248 = arith.addf %get3A_247, %scan3A_189#5 : vector<16xf32>
        %swap3A_249 = arith.index_cast %add3A_244 : i32 to index
        %swap3A_250 = tpu.vector_load %arg8[%swap3A_249] {strides = array<i32>} : memref<8192xf32, #tpu.memory_space<vmem>>, vector<16xf32>,
        %swap3A_251 = vector.shape_cast %swap3A_250 : vector<16xf32> to vector<16xf32>
        %swap3A_252 = vector.shape_cast %add3A_248 : vector<16xf32> to vector<16xf32>
        tpu.vector_store %arg8[%swap3A_249], %swap3A_252 {strides = array<i32>} : memref<8192xf32, #tpu.memory_space<vmem>>, vector<16xf32>,
        %add3A_253 = arith.constant 96 : i32
        %add3A_254 = arith.addi %mul3A_192, %add3A_253 : i32
        %get3A_255 = arith.index_cast %add3A_254 : i32 to index
        %get3A_256 = tpu.vector_load %arg8[%get3A_255] {strides = array<i32>} : memref<8192xf32, #tpu.memory_space<vmem>>, vector<16xf32>,
        %get3A_257 = vector.shape_cast %get3A_256 : vector<16xf32> to vector<16xf32>
        %add3A_258 = arith.addf %get3A_257, %scan3A_189#6 : vector<16xf32>
        %swap3A_259 = arith.index_cast %add3A_254 : i32 to index
        %swap3A_260 = tpu.vector_load %arg8[%swap3A_259] {strides = array<i32>} : memref<8192xf32, #tpu.memory_space<vmem>>, vector<16xf32>,
        %swap3A_261 = vector.shape_cast %swap3A_260 : vector<16xf32> to vector<16xf32>
        %swap3A_262 = vector.shape_cast %add3A_258 : vector<16xf32> to vector<16xf32>
        tpu.vector_store %arg8[%swap3A_259], %swap3A_262 {strides = array<i32>} : memref<8192xf32, #tpu.memory_space<vmem>>, vector<16xf32>,
        %add3A_263 = arith.constant 112 : i32
        %add3A_264 = arith.addi %mul3A_192, %add3A_263 : i32
        %get3A_265 = arith.index_cast %add3A_264 : i32 to index
        %get3A_266 = tpu.vector_load %arg8[%get3A_265] {strides = array<i32>} : memref<8192xf32, #tpu.memory_space<vmem>>, vector<16xf32>,
        %get3A_267 = vector.shape_cast %get3A_266 : vector<16xf32> to vector<16xf32>
        %add3A_268 = arith.addf %get3A_267, %scan3A_189#7 : vector<16xf32>
        %swap3A_269 = arith.index_cast %add3A_264 : i32 to index
        %swap3A_270 = tpu.vector_load %arg8[%swap3A_269] {strides = array<i32>} : memref<8192xf32, #tpu.memory_space<vmem>>, vector<16xf32>,
        %swap3A_271 = vector.shape_cast %swap3A_270 : vector<16xf32> to vector<16xf32>
        %swap3A_272 = vector.shape_cast %add3A_268 : vector<16xf32> to vector<16xf32>
        tpu.vector_store %arg8[%swap3A_269], %swap3A_272 {strides = array<i32>} : memref<8192xf32, #tpu.memory_space<vmem>>, vector<16xf32>,
        %jit3A_273 = arith.constant 16 : i32
        %div3A_274 = arith.divsi %squeeze3A, %jit3A_273 : i32
        %sign3A_275 = arith.constant 0 : i32
        %sign3A_276 = arith.cmpi sgt, %squeeze3A, %sign3A_275 : i32
        %sign3A_277 = arith.extui %sign3A_276 : i1 to i32
        %sign3A_278 = arith.constant 0 : i32
        %sign3A_279 = arith.cmpi slt, %squeeze3A, %sign3A_278 : i32
        %sign3A_280 = arith.extui %sign3A_279 : i1 to i32
        %sign3A_281 = arith.subi %sign3A_277, %sign3A_280 : i32
        %sign3A_282 = arith.constant 0 : i32
        %sign3A_283 = arith.cmpi sgt, %jit3A_273, %sign3A_282 : i32
        %sign3A_284 = arith.extui %sign3A_283 : i1 to i32
        %sign3A_285 = arith.constant 0 : i32
        %sign3A_286 = arith.cmpi slt, %jit3A_273, %sign3A_285 : i32
        %sign3A_287 = arith.extui %sign3A_286 : i1 to i32
        %sign3A_288 = arith.subi %sign3A_284, %sign3A_287 : i32
        %ne3A_289 = arith.cmpi ne, %sign3A_281, %sign3A_288 : i32
        %rem3A_290 = arith.remsi %squeeze3A, %jit3A_273 : i32
        %ne3A_291 = arith.constant 0 : i32
        %ne3A_292 = arith.cmpi ne, %rem3A_290, %ne3A_291 : i32
        %and3A_293 = arith.andi %ne3A_289, %ne3A_292 : i1
        %sub3A_294 = arith.constant 1 : i32
        %sub3A_295 = arith.subi %div3A_274, %sub3A_294 : i32
        %select_n3A_296 = arith.select %and3A_293, %sub3A_295, %div3A_274 : i32
        %mul3A_297 = arith.constant 16 : i32
        %mul3A_298 = arith.muli %select_n3A_296, %mul3A_297 : i32
        %get3A_299 = arith.index_cast %mul3A_298 : i32 to index
        %get3A_300 = tpu.vector_load %arg9[%get3A_299] {strides = array<i32>} : memref<64xf32, #tpu.memory_space<vmem>>, vector<16xf32>,
        %get3A_301 = vector.shape_cast %get3A_300 : vector<16xf32> to vector<16xf32>
        %add3A_302 = vector.broadcast %mul3A_298 : i32 to vector<16xi32>
        %add3A_303 = arith.addi %iota3A, %add3A_302 : vector<16xi32>
        %eq3A_304 = vector.broadcast %squeeze3A : i32 to vector<16xi32>
        %eq3A_305 = arith.cmpi eq, %add3A_303, %eq3A_304 : vector<16xi32>
        %jit3A_306 = arith.constant 1.250000e+02 : f32
        %jit3A_307 = arith.constant 0.000000e+00 : f32
        %broadcast_in_dim3A_308 = vector.broadcast %jit3A_306 : f32 to vector<16xf32>
        %broadcast_in_dim3A_309 = vector.broadcast %jit3A_307 : f32 to vector<16xf32>
        %select_n3A_310 = arith.select %eq3A_305, %broadcast_in_dim3A_308, %broadcast_in_dim3A_309 : vector<16xi1>, vector<16xf32>
        %add3A_311 = arith.addf %get3A_301, %select_n3A_310 : vector<16xf32>
        %swap3A_312 = arith.index_cast %mul3A_298 : i32 to index
        %swap3A_313 = tpu.vector_load %arg9[%swap3A_312] {strides = array<i32>} : memref<64xf32, #tpu.memory_space<vmem>>, vector<16xf32>,
        %swap3A_314 = vector.shape_cast %swap3A_313 : vector<16xf32> to vector<16xf32>
        %swap3A_315 = vector.shape_cast %add3A_311 : vector<16xf32> to vector<16xf32>
        tpu.vector_store %arg9[%swap3A_312], %swap3A_315 {strides = array<i32>} : memref<64xf32, #tpu.memory_space<vmem>>, vector<16xf32>,
      } else {
      }
      %ne3A_121 = arith.cmpi ne, %squeeze3A, %squeeze3A_118 : i32
      %convert_element_type3A_122 = arith.extui %ne3A_121 : i1 to i32
      %cond3A_123 = arith.constant 0 : i32
      %cond3A_124 = arith.constant 0 : i32
      %cond3A_125 = arith.cmpi ne, %convert_element_type3A_122, %cond3A_124 : i32
      scf.if %cond3A_125 {
        %scan3A_185 = arith.constant 0 : i32
        %scan3A_186 = arith.constant 0 : i32
        %scan3A_187 = arith.constant 125 : i32
        %scan3A_188 = arith.addi %scan3A_186, %scan3A_187 : i32
        %scan3A_189 = arith.constant 1 : i32
        %scan3A_190 = scf.for %scan3A_192 = %scan3A_186 to %scan3A_188 step %scan3A_189 iter_args(%scan3A_193 = %scan3A_185) -> (i32)  : i32 {
          %add3A_194 = arith.addi %add3A_107, %scan3A_192 : i32
          %get3A_195 = arith.index_cast %add3A_194 : i32 to index
          %get3A_196 = tpu.vector_load %arg7[%get3A_195] {strides = array<i32>} : memref<1528xi32, #tpu.memory_space<vmem>>, vector<16xi32>,
          %get3A_197 = vector.shape_cast %get3A_196 : vector<16xi32> to vector<16xi32>
          %slice3A_198 = vector.extract_strided_slice %get3A_197 {offsets = [0], sizes = [1], strides = [1]} : vector<16xi32> to vector<1xi32>
          %squeeze3A_199 = vector.extract %slice3A_198[0] : i32 from vector<1xi32>
          %mul3A_200 = arith.constant 128 : i32
          %mul3A_201 = arith.muli %squeeze3A_199, %mul3A_200 : i32
          %mul3A_202 = arith.constant 128 : i32
          %mul3A_203 = arith.muli %scan3A_192, %mul3A_202 : i32
          %add3A_204 = arith.constant 0 : i32
          %add3A_205 = arith.addi %mul3A_201, %add3A_204 : i32
          %get3A_206 = arith.index_cast %add3A_205 : i32 to index
          %get3A_207 = tpu.vector_load %arg8[%get3A_206] {strides = array<i32>} : memref<8192xf32, #tpu.memory_space<vmem>>, vector<16xf32>,
          %get3A_208 = vector.shape_cast %get3A_207 : vector<16xf32> to vector<16xf32>
          %add3A_209 = arith.constant 0 : i32
          %add3A_210 = arith.addi %mul3A_203, %add3A_209 : i32
          %get3A_211 = arith.constant 0 : i32
          %get3A_212 = tpu.memref_slice %arg6[%cond3A_123, %get3A_211] : memref<2x16000xf32, #tpu.memory_space<vmem>> -> memref<1x16000xf32, #tpu.memory_space<vmem>>
          %get3A_213 = tpu.memref_squeeze %get3A_212 : memref<1x16000xf32, #tpu.memory_space<vmem>> -> memref<16000xf32, #tpu.memory_space<vmem>>
          %get3A_214 = arith.index_cast %add3A_210 : i32 to index
          %get3A_215 = tpu.vector_load %get3A_213[%get3A_214] {strides = array<i32>} : memref<16000xf32, #tpu.memory_space<vmem>>, vector<16xf32>,
          %get3A_216 = vector.shape_cast %get3A_215 : vector<16xf32> to vector<16xf32>
          %add3A_217 = arith.addf %get3A_208, %get3A_216 : vector<16xf32>
          %swap3A_218 = arith.index_cast %add3A_205 : i32 to index
          %swap3A_219 = tpu.vector_load %arg8[%swap3A_218] {strides = array<i32>} : memref<8192xf32, #tpu.memory_space<vmem>>, vector<16xf32>,
          %swap3A_220 = vector.shape_cast %swap3A_219 : vector<16xf32> to vector<16xf32>
          %swap3A_221 = vector.shape_cast %add3A_217 : vector<16xf32> to vector<16xf32>
          tpu.vector_store %arg8[%swap3A_218], %swap3A_221 {strides = array<i32>} : memref<8192xf32, #tpu.memory_space<vmem>>, vector<16xf32>,
          %add3A_222 = arith.constant 16 : i32
          %add3A_223 = arith.addi %mul3A_201, %add3A_222 : i32
          %get3A_224 = arith.index_cast %add3A_223 : i32 to index
          %get3A_225 = tpu.vector_load %arg8[%get3A_224] {strides = array<i32>} : memref<8192xf32, #tpu.memory_space<vmem>>, vector<16xf32>,
          %get3A_226 = vector.shape_cast %get3A_225 : vector<16xf32> to vector<16xf32>
          %add3A_227 = arith.constant 16 : i32
          %add3A_228 = arith.addi %mul3A_203, %add3A_227 : i32
          %get3A_229 = arith.constant 0 : i32
          %get3A_230 = tpu.memref_slice %arg6[%cond3A_123, %get3A_229] : memref<2x16000xf32, #tpu.memory_space<vmem>> -> memref<1x16000xf32, #tpu.memory_space<vmem>>
          %get3A_231 = tpu.memref_squeeze %get3A_230 : memref<1x16000xf32, #tpu.memory_space<vmem>> -> memref<16000xf32, #tpu.memory_space<vmem>>
          %get3A_232 = arith.index_cast %add3A_228 : i32 to index
          %get3A_233 = tpu.vector_load %get3A_231[%get3A_232] {strides = array<i32>} : memref<16000xf32, #tpu.memory_space<vmem>>, vector<16xf32>,
          %get3A_234 = vector.shape_cast %get3A_233 : vector<16xf32> to vector<16xf32>
          %add3A_235 = arith.addf %get3A_226, %get3A_234 : vector<16xf32>
          %swap3A_236 = arith.index_cast %add3A_223 : i32 to index
          %swap3A_237 = tpu.vector_load %arg8[%swap3A_236] {strides = array<i32>} : memref<8192xf32, #tpu.memory_space<vmem>>, vector<16xf32>,
          %swap3A_238 = vector.shape_cast %swap3A_237 : vector<16xf32> to vector<16xf32>
          %swap3A_239 = vector.shape_cast %add3A_235 : vector<16xf32> to vector<16xf32>
          tpu.vector_store %arg8[%swap3A_236], %swap3A_239 {strides = array<i32>} : memref<8192xf32, #tpu.memory_space<vmem>>, vector<16xf32>,
          %add3A_240 = arith.constant 32 : i32
          %add3A_241 = arith.addi %mul3A_201, %add3A_240 : i32
          %get3A_242 = arith.index_cast %add3A_241 : i32 to index
          %get3A_243 = tpu.vector_load %arg8[%get3A_242] {strides = array<i32>} : memref<8192xf32, #tpu.memory_space<vmem>>, vector<16xf32>,
          %get3A_244 = vector.shape_cast %get3A_243 : vector<16xf32> to vector<16xf32>
          %add3A_245 = arith.constant 32 : i32
          %add3A_246 = arith.addi %mul3A_203, %add3A_245 : i32
          %get3A_247 = arith.constant 0 : i32
          %get3A_248 = tpu.memref_slice %arg6[%cond3A_123, %get3A_247] : memref<2x16000xf32, #tpu.memory_space<vmem>> -> memref<1x16000xf32, #tpu.memory_space<vmem>>
          %get3A_249 = tpu.memref_squeeze %get3A_248 : memref<1x16000xf32, #tpu.memory_space<vmem>> -> memref<16000xf32, #tpu.memory_space<vmem>>
          %get3A_250 = arith.index_cast %add3A_246 : i32 to index
          %get3A_251 = tpu.vector_load %get3A_249[%get3A_250] {strides = array<i32>} : memref<16000xf32, #tpu.memory_space<vmem>>, vector<16xf32>,
          %get3A_252 = vector.shape_cast %get3A_251 : vector<16xf32> to vector<16xf32>
          %add3A_253 = arith.addf %get3A_244, %get3A_252 : vector<16xf32>
          %swap3A_254 = arith.index_cast %add3A_241 : i32 to index
          %swap3A_255 = tpu.vector_load %arg8[%swap3A_254] {strides = array<i32>} : memref<8192xf32, #tpu.memory_space<vmem>>, vector<16xf32>,
          %swap3A_256 = vector.shape_cast %swap3A_255 : vector<16xf32> to vector<16xf32>
          %swap3A_257 = vector.shape_cast %add3A_253 : vector<16xf32> to vector<16xf32>
          tpu.vector_store %arg8[%swap3A_254], %swap3A_257 {strides = array<i32>} : memref<8192xf32, #tpu.memory_space<vmem>>, vector<16xf32>,
          %add3A_258 = arith.constant 48 : i32
          %add3A_259 = arith.addi %mul3A_201, %add3A_258 : i32
          %get3A_260 = arith.index_cast %add3A_259 : i32 to index
          %get3A_261 = tpu.vector_load %arg8[%get3A_260] {strides = array<i32>} : memref<8192xf32, #tpu.memory_space<vmem>>, vector<16xf32>,
          %get3A_262 = vector.shape_cast %get3A_261 : vector<16xf32> to vector<16xf32>
          %add3A_263 = arith.constant 48 : i32
          %add3A_264 = arith.addi %mul3A_203, %add3A_263 : i32
          %get3A_265 = arith.constant 0 : i32
          %get3A_266 = tpu.memref_slice %arg6[%cond3A_123, %get3A_265] : memref<2x16000xf32, #tpu.memory_space<vmem>> -> memref<1x16000xf32, #tpu.memory_space<vmem>>
          %get3A_267 = tpu.memref_squeeze %get3A_266 : memref<1x16000xf32, #tpu.memory_space<vmem>> -> memref<16000xf32, #tpu.memory_space<vmem>>
          %get3A_268 = arith.index_cast %add3A_264 : i32 to index
          %get3A_269 = tpu.vector_load %get3A_267[%get3A_268] {strides = array<i32>} : memref<16000xf32, #tpu.memory_space<vmem>>, vector<16xf32>,
          %get3A_270 = vector.shape_cast %get3A_269 : vector<16xf32> to vector<16xf32>
          %add3A_271 = arith.addf %get3A_262, %get3A_270 : vector<16xf32>
          %swap3A_272 = arith.index_cast %add3A_259 : i32 to index
          %swap3A_273 = tpu.vector_load %arg8[%swap3A_272] {strides = array<i32>} : memref<8192xf32, #tpu.memory_space<vmem>>, vector<16xf32>,
          %swap3A_274 = vector.shape_cast %swap3A_273 : vector<16xf32> to vector<16xf32>
          %swap3A_275 = vector.shape_cast %add3A_271 : vector<16xf32> to vector<16xf32>
          tpu.vector_store %arg8[%swap3A_272], %swap3A_275 {strides = array<i32>} : memref<8192xf32, #tpu.memory_space<vmem>>, vector<16xf32>,
          %add3A_276 = arith.constant 64 : i32
          %add3A_277 = arith.addi %mul3A_201, %add3A_276 : i32
          %get3A_278 = arith.index_cast %add3A_277 : i32 to index
          %get3A_279 = tpu.vector_load %arg8[%get3A_278] {strides = array<i32>} : memref<8192xf32, #tpu.memory_space<vmem>>, vector<16xf32>,
          %get3A_280 = vector.shape_cast %get3A_279 : vector<16xf32> to vector<16xf32>
          %add3A_281 = arith.constant 64 : i32
          %add3A_282 = arith.addi %mul3A_203, %add3A_281 : i32
          %get3A_283 = arith.constant 0 : i32
          %get3A_284 = tpu.memref_slice %arg6[%cond3A_123, %get3A_283] : memref<2x16000xf32, #tpu.memory_space<vmem>> -> memref<1x16000xf32, #tpu.memory_space<vmem>>
          %get3A_285 = tpu.memref_squeeze %get3A_284 : memref<1x16000xf32, #tpu.memory_space<vmem>> -> memref<16000xf32, #tpu.memory_space<vmem>>
          %get3A_286 = arith.index_cast %add3A_282 : i32 to index
          %get3A_287 = tpu.vector_load %get3A_285[%get3A_286] {strides = array<i32>} : memref<16000xf32, #tpu.memory_space<vmem>>, vector<16xf32>,
          %get3A_288 = vector.shape_cast %get3A_287 : vector<16xf32> to vector<16xf32>
          %add3A_289 = arith.addf %get3A_280, %get3A_288 : vector<16xf32>
          %swap3A_290 = arith.index_cast %add3A_277 : i32 to index
          %swap3A_291 = tpu.vector_load %arg8[%swap3A_290] {strides = array<i32>} : memref<8192xf32, #tpu.memory_space<vmem>>, vector<16xf32>,
          %swap3A_292 = vector.shape_cast %swap3A_291 : vector<16xf32> to vector<16xf32>
          %swap3A_293 = vector.shape_cast %add3A_289 : vector<16xf32> to vector<16xf32>
          tpu.vector_store %arg8[%swap3A_290], %swap3A_293 {strides = array<i32>} : memref<8192xf32, #tpu.memory_space<vmem>>, vector<16xf32>,
          %add3A_294 = arith.constant 80 : i32
          %add3A_295 = arith.addi %mul3A_201, %add3A_294 : i32
          %get3A_296 = arith.index_cast %add3A_295 : i32 to index
          %get3A_297 = tpu.vector_load %arg8[%get3A_296] {strides = array<i32>} : memref<8192xf32, #tpu.memory_space<vmem>>, vector<16xf32>,
          %get3A_298 = vector.shape_cast %get3A_297 : vector<16xf32> to vector<16xf32>
          %add3A_299 = arith.constant 80 : i32
          %add3A_300 = arith.addi %mul3A_203, %add3A_299 : i32
          %get3A_301 = arith.constant 0 : i32
          %get3A_302 = tpu.memref_slice %arg6[%cond3A_123, %get3A_301] : memref<2x16000xf32, #tpu.memory_space<vmem>> -> memref<1x16000xf32, #tpu.memory_space<vmem>>
          %get3A_303 = tpu.memref_squeeze %get3A_302 : memref<1x16000xf32, #tpu.memory_space<vmem>> -> memref<16000xf32, #tpu.memory_space<vmem>>
          %get3A_304 = arith.index_cast %add3A_300 : i32 to index
          %get3A_305 = tpu.vector_load %get3A_303[%get3A_304] {strides = array<i32>} : memref<16000xf32, #tpu.memory_space<vmem>>, vector<16xf32>,
          %get3A_306 = vector.shape_cast %get3A_305 : vector<16xf32> to vector<16xf32>
          %add3A_307 = arith.addf %get3A_298, %get3A_306 : vector<16xf32>
          %swap3A_308 = arith.index_cast %add3A_295 : i32 to index
          %swap3A_309 = tpu.vector_load %arg8[%swap3A_308] {strides = array<i32>} : memref<8192xf32, #tpu.memory_space<vmem>>, vector<16xf32>,
          %swap3A_310 = vector.shape_cast %swap3A_309 : vector<16xf32> to vector<16xf32>
          %swap3A_311 = vector.shape_cast %add3A_307 : vector<16xf32> to vector<16xf32>
          tpu.vector_store %arg8[%swap3A_308], %swap3A_311 {strides = array<i32>} : memref<8192xf32, #tpu.memory_space<vmem>>, vector<16xf32>,
          %add3A_312 = arith.constant 96 : i32
          %add3A_313 = arith.addi %mul3A_201, %add3A_312 : i32
          %get3A_314 = arith.index_cast %add3A_313 : i32 to index
          %get3A_315 = tpu.vector_load %arg8[%get3A_314] {strides = array<i32>} : memref<8192xf32, #tpu.memory_space<vmem>>, vector<16xf32>,
          %get3A_316 = vector.shape_cast %get3A_315 : vector<16xf32> to vector<16xf32>
          %add3A_317 = arith.constant 96 : i32
          %add3A_318 = arith.addi %mul3A_203, %add3A_317 : i32
          %get3A_319 = arith.constant 0 : i32
          %get3A_320 = tpu.memref_slice %arg6[%cond3A_123, %get3A_319] : memref<2x16000xf32, #tpu.memory_space<vmem>> -> memref<1x16000xf32, #tpu.memory_space<vmem>>
          %get3A_321 = tpu.memref_squeeze %get3A_320 : memref<1x16000xf32, #tpu.memory_space<vmem>> -> memref<16000xf32, #tpu.memory_space<vmem>>
          %get3A_322 = arith.index_cast %add3A_318 : i32 to index
          %get3A_323 = tpu.vector_load %get3A_321[%get3A_322] {strides = array<i32>} : memref<16000xf32, #tpu.memory_space<vmem>>, vector<16xf32>,
          %get3A_324 = vector.shape_cast %get3A_323 : vector<16xf32> to vector<16xf32>
          %add3A_325 = arith.addf %get3A_316, %get3A_324 : vector<16xf32>
          %swap3A_326 = arith.index_cast %add3A_313 : i32 to index
          %swap3A_327 = tpu.vector_load %arg8[%swap3A_326] {strides = array<i32>} : memref<8192xf32, #tpu.memory_space<vmem>>, vector<16xf32>,
          %swap3A_328 = vector.shape_cast %swap3A_327 : vector<16xf32> to vector<16xf32>
          %swap3A_329 = vector.shape_cast %add3A_325 : vector<16xf32> to vector<16xf32>
          tpu.vector_store %arg8[%swap3A_326], %swap3A_329 {strides = array<i32>} : memref<8192xf32, #tpu.memory_space<vmem>>, vector<16xf32>,
          %add3A_330 = arith.constant 112 : i32
          %add3A_331 = arith.addi %mul3A_201, %add3A_330 : i32
          %get3A_332 = arith.index_cast %add3A_331 : i32 to index
          %get3A_333 = tpu.vector_load %arg8[%get3A_332] {strides = array<i32>} : memref<8192xf32, #tpu.memory_space<vmem>>, vector<16xf32>,
          %get3A_334 = vector.shape_cast %get3A_333 : vector<16xf32> to vector<16xf32>
          %add3A_335 = arith.constant 112 : i32
          %add3A_336 = arith.addi %mul3A_203, %add3A_335 : i32
          %get3A_337 = arith.constant 0 : i32
          %get3A_338 = tpu.memref_slice %arg6[%cond3A_123, %get3A_337] : memref<2x16000xf32, #tpu.memory_space<vmem>> -> memref<1x16000xf32, #tpu.memory_space<vmem>>
          %get3A_339 = tpu.memref_squeeze %get3A_338 : memref<1x16000xf32, #tpu.memory_space<vmem>> -> memref<16000xf32, #tpu.memory_space<vmem>>
          %get3A_340 = arith.index_cast %add3A_336 : i32 to index
          %get3A_341 = tpu.vector_load %get3A_339[%get3A_340] {strides = array<i32>} : memref<16000xf32, #tpu.memory_space<vmem>>, vector<16xf32>,
          %get3A_342 = vector.shape_cast %get3A_341 : vector<16xf32> to vector<16xf32>
          %add3A_343 = arith.addf %get3A_334, %get3A_342 : vector<16xf32>
          %swap3A_344 = arith.index_cast %add3A_331 : i32 to index
          %swap3A_345 = tpu.vector_load %arg8[%swap3A_344] {strides = array<i32>} : memref<8192xf32, #tpu.memory_space<vmem>>, vector<16xf32>,
          %swap3A_346 = vector.shape_cast %swap3A_345 : vector<16xf32> to vector<16xf32>
          %swap3A_347 = vector.shape_cast %add3A_343 : vector<16xf32> to vector<16xf32>
          tpu.vector_store %arg8[%swap3A_344], %swap3A_347 {strides = array<i32>} : memref<8192xf32, #tpu.memory_space<vmem>>, vector<16xf32>,
          %jit3A_348 = arith.constant 16 : i32
          %div3A_349 = arith.divsi %squeeze3A_199, %jit3A_348 : i32
          %sign3A_350 = arith.constant 0 : i32
          %sign3A_351 = arith.cmpi sgt, %squeeze3A_199, %sign3A_350 : i32
          %sign3A_352 = arith.extui %sign3A_351 : i1 to i32
          %sign3A_353 = arith.constant 0 : i32
          %sign3A_354 = arith.cmpi slt, %squeeze3A_199, %sign3A_353 : i32
          %sign3A_355 = arith.extui %sign3A_354 : i1 to i32
          %sign3A_356 = arith.subi %sign3A_352, %sign3A_355 : i32
          %sign3A_357 = arith.constant 0 : i32
          %sign3A_358 = arith.cmpi sgt, %jit3A_348, %sign3A_357 : i32
          %sign3A_359 = arith.extui %sign3A_358 : i1 to i32
          %sign3A_360 = arith.constant 0 : i32
          %sign3A_361 = arith.cmpi slt, %jit3A_348, %sign3A_360 : i32
          %sign3A_362 = arith.extui %sign3A_361 : i1 to i32
          %sign3A_363 = arith.subi %sign3A_359, %sign3A_362 : i32
          %ne3A_364 = arith.cmpi ne, %sign3A_356, %sign3A_363 : i32
          %rem3A_365 = arith.remsi %squeeze3A_199, %jit3A_348 : i32
          %ne3A_366 = arith.constant 0 : i32
          %ne3A_367 = arith.cmpi ne, %rem3A_365, %ne3A_366 : i32
          %and3A_368 = arith.andi %ne3A_364, %ne3A_367 : i1
          %sub3A_369 = arith.constant 1 : i32
          %sub3A_370 = arith.subi %div3A_349, %sub3A_369 : i32
          %select_n3A_371 = arith.select %and3A_368, %sub3A_370, %div3A_349 : i32
          %mul3A_372 = arith.constant 16 : i32
          %mul3A_373 = arith.muli %select_n3A_371, %mul3A_372 : i32
          %get3A_374 = arith.index_cast %mul3A_373 : i32 to index
          %get3A_375 = tpu.vector_load %arg9[%get3A_374] {strides = array<i32>} : memref<64xf32, #tpu.memory_space<vmem>>, vector<16xf32>,
          %get3A_376 = vector.shape_cast %get3A_375 : vector<16xf32> to vector<16xf32>
          %add3A_377 = vector.broadcast %mul3A_373 : i32 to vector<16xi32>
          %add3A_378 = arith.addi %iota3A, %add3A_377 : vector<16xi32>
          %eq3A_379 = vector.broadcast %squeeze3A_199 : i32 to vector<16xi32>
          %eq3A_380 = arith.cmpi eq, %add3A_378, %eq3A_379 : vector<16xi32>
          %jit3A_381 = arith.constant 1.000000e+00 : f32
          %jit3A_382 = arith.constant 0.000000e+00 : f32
          %broadcast_in_dim3A_383 = vector.broadcast %jit3A_381 : f32 to vector<16xf32>
          %broadcast_in_dim3A_384 = vector.broadcast %jit3A_382 : f32 to vector<16xf32>
          %select_n3A_385 = arith.select %eq3A_380, %broadcast_in_dim3A_383, %broadcast_in_dim3A_384 : vector<16xi1>, vector<16xf32>
          %add3A_386 = arith.addf %get3A_376, %select_n3A_385 : vector<16xf32>
          %swap3A_387 = arith.index_cast %mul3A_373 : i32 to index
          %swap3A_388 = tpu.vector_load %arg9[%swap3A_387] {strides = array<i32>} : memref<64xf32, #tpu.memory_space<vmem>>, vector<16xf32>,
          %swap3A_389 = vector.shape_cast %swap3A_388 : vector<16xf32> to vector<16xf32>
          %swap3A_390 = vector.shape_cast %add3A_386 : vector<16xf32> to vector<16xf32>
          tpu.vector_store %arg9[%swap3A_387], %swap3A_390 {strides = array<i32>} : memref<64xf32, #tpu.memory_space<vmem>>, vector<16xf32>,
          %scan3A_391 = arith.constant 0 : i32
          scf.yield %scan3A_391 : i32
        }
        %scan3A_191 = arith.constant 125 : i32
      } else {
      }
      %add3A_126 = arith.constant 2 : i32
      %add3A_127 = arith.addi %add3A_90, %add3A_126 : i32
      %lt3A = arith.constant 12 : i32
      %lt3A_128 = arith.cmpi slt, %add3A_127, %lt3A : i32
      %convert_element_type3A_129 = arith.extui %lt3A_128 : i1 to i32
      %cond3A_130 = arith.constant 0 : i32
      %cond3A_131 = arith.cmpi ne, %convert_element_type3A_129, %cond3A_130 : i32
      scf.if %cond3A_131 {
        %add3A_185 = arith.constant 2 : i32
        %add3A_186 = arith.addi %add3A_90, %add3A_185 : i32
        %mul3A_187 = arith.constant 125 : i32
        %mul3A_188 = arith.muli %add3A_186, %mul3A_187 : i32
        %add3A_189 = arith.addi %mul3A_2, %mul3A_188 : i32
        %mul3A_190 = arith.constant 128 : i32
        %mul3A_191 = arith.muli %add3A_189, %mul3A_190 : i32
        %dma_start3A_192 = arith.constant 0 : i32
        %dma_start3A_193 = arith.constant 0 : i32
        %dma_start3A_194 = tpu.memref_slice %arg6[%dma_start3A_192, %dma_start3A_193] : memref<2x16000xf32, #tpu.memory_space<vmem>> -> memref<1x16000xf32, #tpu.memory_space<vmem>>
        %dma_start3A_195 = tpu.memref_squeeze %dma_start3A_194 : memref<1x16000xf32, #tpu.memory_space<vmem>> -> memref<16000xf32, #tpu.memory_space<vmem>>
        %dma_start3A_196 = tpu.memref_slice %arg2[%mul3A_191] : memref<12800000xf32, #tpu.memory_space<hbm>> -> memref<16000xf32, #tpu.memory_space<hbm>>
        %dma_start3A_197 = arith.constant 0 : i32
        %dma_start3A_198 = tpu.memref_slice %arg6[%dma_start3A_192, %dma_start3A_197] : memref<2x16000xf32, #tpu.memory_space<vmem>> -> memref<1x16000xf32, #tpu.memory_space<vmem>>
        %dma_start3A_199 = tpu.memref_squeeze %dma_start3A_198 : memref<1x16000xf32, #tpu.memory_space<vmem>> -> memref<16000xf32, #tpu.memory_space<vmem>>
        %dma_start3A_200 = tpu.memref_slice %arg2[%mul3A_191] : memref<12800000xf32, #tpu.memory_space<hbm>> -> memref<16000xf32, #tpu.memory_space<hbm>>
        tpu.enqueue_dma source(%dma_start3A_200 : memref<16000xf32, #tpu.memory_space<hbm>>) target(%dma_start3A_199 : memref<16000xf32, #tpu.memory_space<vmem>>) target_semaphore(%arg10 : memref<!tpu.dma_semaphore, #tpu.memory_space<semaphore_mem>>)
      } else {
      }
      %mul3A_132 = arith.constant 2 : i32
      %mul3A_133 = arith.muli %scan3A_85, %mul3A_132 : i32
      %add3A_134 = arith.constant 1 : i32
      %add3A_135 = arith.addi %mul3A_133, %add3A_134 : i32
      %mul3A_136 = arith.constant 125 : i32
      %mul3A_137 = arith.muli %add3A_135, %mul3A_136 : i32
      %add3A_138 = arith.addi %mul3A_2, %mul3A_137 : i32
      %mul3A_139 = arith.constant 128 : i32
      %mul3A_140 = arith.muli %add3A_138, %mul3A_139 : i32
      %dma_wait3A_141 = arith.constant 1 : i32
      %dma_wait3A_142 = arith.constant 0 : i32
      %dma_wait3A_143 = tpu.memref_slice %arg6[%dma_wait3A_141, %dma_wait3A_142] : memref<2x16000xf32, #tpu.memory_space<vmem>> -> memref<1x16000xf32, #tpu.memory_space<vmem>>
      %dma_wait3A_144 = tpu.memref_squeeze %dma_wait3A_143 : memref<1x16000xf32, #tpu.memory_space<vmem>> -> memref<16000xf32, #tpu.memory_space<vmem>>
      %dma_wait3A_145 = tpu.memref_slice %arg2[%mul3A_140] : memref<12800000xf32, #tpu.memory_space<hbm>> -> memref<16000xf32, #tpu.memory_space<hbm>>
      %dma_wait3A_146 = arith.constant 0 : i32
      %dma_wait3A_147 = tpu.memref_slice %arg6[%dma_wait3A_141, %dma_wait3A_146] : memref<2x16000xf32, #tpu.memory_space<vmem>> -> memref<1x16000xf32, #tpu.memory_space<vmem>>
      %dma_wait3A_148 = tpu.memref_squeeze %dma_wait3A_147 : memref<1x16000xf32, #tpu.memory_space<vmem>> -> memref<16000xf32, #tpu.memory_space<vmem>>
      %dma_wait3A_149 = tpu.memref_slice %arg2[%mul3A_140] : memref<12800000xf32, #tpu.memory_space<hbm>> -> memref<16000xf32, #tpu.memory_space<hbm>>
      tpu.wait_dma2 semaphore(%arg11 : memref<!tpu.dma_semaphore, #tpu.memory_space<semaphore_mem>>) src(%dma_wait3A_149 : memref<16000xf32, #tpu.memory_space<hbm>>) dst(%dma_wait3A_148 : memref<16000xf32, #tpu.memory_space<vmem>>)
      %mul3A_150 = arith.constant 125 : i32
      %mul3A_151 = arith.muli %add3A_135, %mul3A_150 : i32
      %add3A_152 = arith.addi %sub3A_21, %mul3A_151 : i32
      %get3A_153 = arith.index_cast %add3A_152 : i32 to index
      %get3A_154 = tpu.vector_load %arg7[%get3A_153] {strides = array<i32>} : memref<1528xi32, #tpu.memory_space<vmem>>, vector<16xi32>,
      %get3A_155 = vector.shape_cast %get3A_154 : vector<16xi32> to vector<16xi32>
      %slice3A_156 = vector.extract_strided_slice %get3A_155 {offsets = [0], sizes = [1], strides = [1]} : vector<16xi32> to vector<1xi32>
      %squeeze3A_157 = vector.extract %slice3A_156[0] : i32 from vector<1xi32>
      %add3A_158 = arith.constant 125 : i32
      %add3A_159 = arith.addi %add3A_152, %add3A_158 : i32
      %sub3A_160 = arith.constant 16 : i32
      %sub3A_161 = arith.subi %add3A_159, %sub3A_160 : i32
      %get3A_162 = arith.index_cast %sub3A_161 : i32 to index
      %get3A_163 = tpu.vector_load %arg7[%get3A_162] {strides = array<i32>} : memref<1528xi32, #tpu.memory_space<vmem>>, vector<16xi32>,
      %get3A_164 = vector.shape_cast %get3A_163 : vector<16xi32> to vector<16xi32>
      %slice3A_165 = vector.extract_strided_slice %get3A_164 {offsets = [15], sizes = [1], strides = [1]} : vector<16xi32> to vector<1xi32>
      %squeeze3A_166 = vector.extract %slice3A_165[0] : i32 from vector<1xi32>
      %eq3A_167 = arith.cmpi eq, %squeeze3A_157, %squeeze3A_166 : i32
      %convert_element_type3A_168 = arith.extui %eq3A_167 : i1 to i32
      %cond3A_169 = arith.constant 1 : i32
      %cond3A_170 = arith.constant 0 : i32
      %cond3A_171 = arith.cmpi ne, %convert_element_type3A_168, %cond3A_170 : i32
      scf.if %cond3A_171 {
        %scan3A_185 = arith.constant 0 : i32
        %scan3A_186 = arith.constant 125 : i32
        %scan3A_187 = arith.addi %scan3A_185, %scan3A_186 : i32
        %scan3A_188 = arith.constant 1 : i32
        %scan3A_189:8 = scf.for %scan3A_316 = %scan3A_185 to %scan3A_187 step %scan3A_188 iter_args(%scan3A_317 = %broadcast_in_dim3A_22, %scan3A_318 = %broadcast_in_dim3A_22, %scan3A_319 = %broadcast_in_dim3A_22, %scan3A_320 = %broadcast_in_dim3A_22, %scan3A_321 = %broadcast_in_dim3A_22, %scan3A_322 = %broadcast_in_dim3A_22, %scan3A_323 = %broadcast_in_dim3A_22, %scan3A_324 = %broadcast_in_dim3A_22) -> (vector<16xf32>, vector<16xf32>, vector<16xf32>, vector<16xf32>, vector<16xf32>, vector<16xf32>, vector<16xf32>, vector<16xf32>)  : i32 {
          %mul3A_325 = arith.constant 128 : i32
          %mul3A_326 = arith.muli %scan3A_316, %mul3A_325 : i32
          %add3A_327 = arith.constant 0 : i32
          %add3A_328 = arith.addi %mul3A_326, %add3A_327 : i32
          %get3A_329 = arith.constant 0 : i32
          %get3A_330 = tpu.memref_slice %arg6[%cond3A_169, %get3A_329] : memref<2x16000xf32, #tpu.memory_space<vmem>> -> memref<1x16000xf32, #tpu.memory_space<vmem>>
          %get3A_331 = tpu.memref_squeeze %get3A_330 : memref<1x16000xf32, #tpu.memory_space<vmem>> -> memref<16000xf32, #tpu.memory_space<vmem>>
          %get3A_332 = arith.index_cast %add3A_328 : i32 to index
          %get3A_333 = tpu.vector_load %get3A_331[%get3A_332] {strides = array<i32>} : memref<16000xf32, #tpu.memory_space<vmem>>, vector<16xf32>,
          %get3A_334 = vector.shape_cast %get3A_333 : vector<16xf32> to vector<16xf32>
          %add3A_335 = arith.addf %scan3A_317, %get3A_334 : vector<16xf32>
          %add3A_336 = arith.constant 16 : i32
          %add3A_337 = arith.addi %mul3A_326, %add3A_336 : i32
          %get3A_338 = arith.constant 0 : i32
          %get3A_339 = tpu.memref_slice %arg6[%cond3A_169, %get3A_338] : memref<2x16000xf32, #tpu.memory_space<vmem>> -> memref<1x16000xf32, #tpu.memory_space<vmem>>
          %get3A_340 = tpu.memref_squeeze %get3A_339 : memref<1x16000xf32, #tpu.memory_space<vmem>> -> memref<16000xf32, #tpu.memory_space<vmem>>
          %get3A_341 = arith.index_cast %add3A_337 : i32 to index
          %get3A_342 = tpu.vector_load %get3A_340[%get3A_341] {strides = array<i32>} : memref<16000xf32, #tpu.memory_space<vmem>>, vector<16xf32>,
          %get3A_343 = vector.shape_cast %get3A_342 : vector<16xf32> to vector<16xf32>
          %add3A_344 = arith.addf %scan3A_318, %get3A_343 : vector<16xf32>
          %add3A_345 = arith.constant 32 : i32
          %add3A_346 = arith.addi %mul3A_326, %add3A_345 : i32
          %get3A_347 = arith.constant 0 : i32
          %get3A_348 = tpu.memref_slice %arg6[%cond3A_169, %get3A_347] : memref<2x16000xf32, #tpu.memory_space<vmem>> -> memref<1x16000xf32, #tpu.memory_space<vmem>>
          %get3A_349 = tpu.memref_squeeze %get3A_348 : memref<1x16000xf32, #tpu.memory_space<vmem>> -> memref<16000xf32, #tpu.memory_space<vmem>>
          %get3A_350 = arith.index_cast %add3A_346 : i32 to index
          %get3A_351 = tpu.vector_load %get3A_349[%get3A_350] {strides = array<i32>} : memref<16000xf32, #tpu.memory_space<vmem>>, vector<16xf32>,
          %get3A_352 = vector.shape_cast %get3A_351 : vector<16xf32> to vector<16xf32>
          %add3A_353 = arith.addf %scan3A_319, %get3A_352 : vector<16xf32>
          %add3A_354 = arith.constant 48 : i32
          %add3A_355 = arith.addi %mul3A_326, %add3A_354 : i32
          %get3A_356 = arith.constant 0 : i32
          %get3A_357 = tpu.memref_slice %arg6[%cond3A_169, %get3A_356] : memref<2x16000xf32, #tpu.memory_space<vmem>> -> memref<1x16000xf32, #tpu.memory_space<vmem>>
          %get3A_358 = tpu.memref_squeeze %get3A_357 : memref<1x16000xf32, #tpu.memory_space<vmem>> -> memref<16000xf32, #tpu.memory_space<vmem>>
          %get3A_359 = arith.index_cast %add3A_355 : i32 to index
          %get3A_360 = tpu.vector_load %get3A_358[%get3A_359] {strides = array<i32>} : memref<16000xf32, #tpu.memory_space<vmem>>, vector<16xf32>,
          %get3A_361 = vector.shape_cast %get3A_360 : vector<16xf32> to vector<16xf32>
          %add3A_362 = arith.addf %scan3A_320, %get3A_361 : vector<16xf32>
          %add3A_363 = arith.constant 64 : i32
          %add3A_364 = arith.addi %mul3A_326, %add3A_363 : i32
          %get3A_365 = arith.constant 0 : i32
          %get3A_366 = tpu.memref_slice %arg6[%cond3A_169, %get3A_365] : memref<2x16000xf32, #tpu.memory_space<vmem>> -> memref<1x16000xf32, #tpu.memory_space<vmem>>
          %get3A_367 = tpu.memref_squeeze %get3A_366 : memref<1x16000xf32, #tpu.memory_space<vmem>> -> memref<16000xf32, #tpu.memory_space<vmem>>
          %get3A_368 = arith.index_cast %add3A_364 : i32 to index
          %get3A_369 = tpu.vector_load %get3A_367[%get3A_368] {strides = array<i32>} : memref<16000xf32, #tpu.memory_space<vmem>>, vector<16xf32>,
          %get3A_370 = vector.shape_cast %get3A_369 : vector<16xf32> to vector<16xf32>
          %add3A_371 = arith.addf %scan3A_321, %get3A_370 : vector<16xf32>
          %add3A_372 = arith.constant 80 : i32
          %add3A_373 = arith.addi %mul3A_326, %add3A_372 : i32
          %get3A_374 = arith.constant 0 : i32
          %get3A_375 = tpu.memref_slice %arg6[%cond3A_169, %get3A_374] : memref<2x16000xf32, #tpu.memory_space<vmem>> -> memref<1x16000xf32, #tpu.memory_space<vmem>>
          %get3A_376 = tpu.memref_squeeze %get3A_375 : memref<1x16000xf32, #tpu.memory_space<vmem>> -> memref<16000xf32, #tpu.memory_space<vmem>>
          %get3A_377 = arith.index_cast %add3A_373 : i32 to index
          %get3A_378 = tpu.vector_load %get3A_376[%get3A_377] {strides = array<i32>} : memref<16000xf32, #tpu.memory_space<vmem>>, vector<16xf32>,
          %get3A_379 = vector.shape_cast %get3A_378 : vector<16xf32> to vector<16xf32>
          %add3A_380 = arith.addf %scan3A_322, %get3A_379 : vector<16xf32>
          %add3A_381 = arith.constant 96 : i32
          %add3A_382 = arith.addi %mul3A_326, %add3A_381 : i32
          %get3A_383 = arith.constant 0 : i32
          %get3A_384 = tpu.memref_slice %arg6[%cond3A_169, %get3A_383] : memref<2x16000xf32, #tpu.memory_space<vmem>> -> memref<1x16000xf32, #tpu.memory_space<vmem>>
          %get3A_385 = tpu.memref_squeeze %get3A_384 : memref<1x16000xf32, #tpu.memory_space<vmem>> -> memref<16000xf32, #tpu.memory_space<vmem>>
          %get3A_386 = arith.index_cast %add3A_382 : i32 to index
          %get3A_387 = tpu.vector_load %get3A_385[%get3A_386] {strides = array<i32>} : memref<16000xf32, #tpu.memory_space<vmem>>, vector<16xf32>,
          %get3A_388 = vector.shape_cast %get3A_387 : vector<16xf32> to vector<16xf32>
          %add3A_389 = arith.addf %scan3A_323, %get3A_388 : vector<16xf32>
          %add3A_390 = arith.constant 112 : i32
          %add3A_391 = arith.addi %mul3A_326, %add3A_390 : i32
          %get3A_392 = arith.constant 0 : i32
          %get3A_393 = tpu.memref_slice %arg6[%cond3A_169, %get3A_392] : memref<2x16000xf32, #tpu.memory_space<vmem>> -> memref<1x16000xf32, #tpu.memory_space<vmem>>
          %get3A_394 = tpu.memref_squeeze %get3A_393 : memref<1x16000xf32, #tpu.memory_space<vmem>> -> memref<16000xf32, #tpu.memory_space<vmem>>
          %get3A_395 = arith.index_cast %add3A_391 : i32 to index
          %get3A_396 = tpu.vector_load %get3A_394[%get3A_395] {strides = array<i32>} : memref<16000xf32, #tpu.memory_space<vmem>>, vector<16xf32>,
          %get3A_397 = vector.shape_cast %get3A_396 : vector<16xf32> to vector<16xf32>
          %add3A_398 = arith.addf %scan3A_324, %get3A_397 : vector<16xf32>
          scf.yield %add3A_335, %add3A_344, %add3A_353, %add3A_362, %add3A_371, %add3A_380, %add3A_389, %add3A_398 : vector<16xf32>, vector<16xf32>, vector<16xf32>, vector<16xf32>, vector<16xf32>, vector<16xf32>, vector<16xf32>, vector<16xf32>
        }
        %scan3A_190 = arith.constant 125 : i32
        %mul3A_191 = arith.constant 128 : i32
        %mul3A_192 = arith.muli %squeeze3A_157, %mul3A_191 : i32
        %add3A_193 = arith.constant 0 : i32
        %add3A_194 = arith.addi %mul3A_192, %add3A_193 : i32
        %get3A_195 = arith.index_cast %add3A_194 : i32 to index
        %get3A_196 = tpu.vector_load %arg8[%get3A_195] {strides = array<i32>} : memref<8192xf32, #tpu.memory_space<vmem>>, vector<16xf32>,
        %get3A_197 = vector.shape_cast %get3A_196 : vector<16xf32> to vector<16xf32>
        %add3A_198 = arith.addf %get3A_197, %scan3A_189#0 : vector<16xf32>
        %swap3A_199 = arith.index_cast %add3A_194 : i32 to index
        %swap3A_200 = tpu.vector_load %arg8[%swap3A_199] {strides = array<i32>} : memref<8192xf32, #tpu.memory_space<vmem>>, vector<16xf32>,
        %swap3A_201 = vector.shape_cast %swap3A_200 : vector<16xf32> to vector<16xf32>
        %swap3A_202 = vector.shape_cast %add3A_198 : vector<16xf32> to vector<16xf32>
        tpu.vector_store %arg8[%swap3A_199], %swap3A_202 {strides = array<i32>} : memref<8192xf32, #tpu.memory_space<vmem>>, vector<16xf32>,
        %add3A_203 = arith.constant 16 : i32
        %add3A_204 = arith.addi %mul3A_192, %add3A_203 : i32
        %get3A_205 = arith.index_cast %add3A_204 : i32 to index
        %get3A_206 = tpu.vector_load %arg8[%get3A_205] {strides = array<i32>} : memref<8192xf32, #tpu.memory_space<vmem>>, vector<16xf32>,
        %get3A_207 = vector.shape_cast %get3A_206 : vector<16xf32> to vector<16xf32>
        %add3A_208 = arith.addf %get3A_207, %scan3A_189#1 : vector<16xf32>
        %swap3A_209 = arith.index_cast %add3A_204 : i32 to index
        %swap3A_210 = tpu.vector_load %arg8[%swap3A_209] {strides = array<i32>} : memref<8192xf32, #tpu.memory_space<vmem>>, vector<16xf32>,
        %swap3A_211 = vector.shape_cast %swap3A_210 : vector<16xf32> to vector<16xf32>
        %swap3A_212 = vector.shape_cast %add3A_208 : vector<16xf32> to vector<16xf32>
        tpu.vector_store %arg8[%swap3A_209], %swap3A_212 {strides = array<i32>} : memref<8192xf32, #tpu.memory_space<vmem>>, vector<16xf32>,
        %add3A_213 = arith.constant 32 : i32
        %add3A_214 = arith.addi %mul3A_192, %add3A_213 : i32
        %get3A_215 = arith.index_cast %add3A_214 : i32 to index
        %get3A_216 = tpu.vector_load %arg8[%get3A_215] {strides = array<i32>} : memref<8192xf32, #tpu.memory_space<vmem>>, vector<16xf32>,
        %get3A_217 = vector.shape_cast %get3A_216 : vector<16xf32> to vector<16xf32>
        %add3A_218 = arith.addf %get3A_217, %scan3A_189#2 : vector<16xf32>
        %swap3A_219 = arith.index_cast %add3A_214 : i32 to index
        %swap3A_220 = tpu.vector_load %arg8[%swap3A_219] {strides = array<i32>} : memref<8192xf32, #tpu.memory_space<vmem>>, vector<16xf32>,
        %swap3A_221 = vector.shape_cast %swap3A_220 : vector<16xf32> to vector<16xf32>
        %swap3A_222 = vector.shape_cast %add3A_218 : vector<16xf32> to vector<16xf32>
        tpu.vector_store %arg8[%swap3A_219], %swap3A_222 {strides = array<i32>} : memref<8192xf32, #tpu.memory_space<vmem>>, vector<16xf32>,
        %add3A_223 = arith.constant 48 : i32
        %add3A_224 = arith.addi %mul3A_192, %add3A_223 : i32
        %get3A_225 = arith.index_cast %add3A_224 : i32 to index
        %get3A_226 = tpu.vector_load %arg8[%get3A_225] {strides = array<i32>} : memref<8192xf32, #tpu.memory_space<vmem>>, vector<16xf32>,
        %get3A_227 = vector.shape_cast %get3A_226 : vector<16xf32> to vector<16xf32>
        %add3A_228 = arith.addf %get3A_227, %scan3A_189#3 : vector<16xf32>
        %swap3A_229 = arith.index_cast %add3A_224 : i32 to index
        %swap3A_230 = tpu.vector_load %arg8[%swap3A_229] {strides = array<i32>} : memref<8192xf32, #tpu.memory_space<vmem>>, vector<16xf32>,
        %swap3A_231 = vector.shape_cast %swap3A_230 : vector<16xf32> to vector<16xf32>
        %swap3A_232 = vector.shape_cast %add3A_228 : vector<16xf32> to vector<16xf32>
        tpu.vector_store %arg8[%swap3A_229], %swap3A_232 {strides = array<i32>} : memref<8192xf32, #tpu.memory_space<vmem>>, vector<16xf32>,
        %add3A_233 = arith.constant 64 : i32
        %add3A_234 = arith.addi %mul3A_192, %add3A_233 : i32
        %get3A_235 = arith.index_cast %add3A_234 : i32 to index
        %get3A_236 = tpu.vector_load %arg8[%get3A_235] {strides = array<i32>} : memref<8192xf32, #tpu.memory_space<vmem>>, vector<16xf32>,
        %get3A_237 = vector.shape_cast %get3A_236 : vector<16xf32> to vector<16xf32>
        %add3A_238 = arith.addf %get3A_237, %scan3A_189#4 : vector<16xf32>
        %swap3A_239 = arith.index_cast %add3A_234 : i32 to index
        %swap3A_240 = tpu.vector_load %arg8[%swap3A_239] {strides = array<i32>} : memref<8192xf32, #tpu.memory_space<vmem>>, vector<16xf32>,
        %swap3A_241 = vector.shape_cast %swap3A_240 : vector<16xf32> to vector<16xf32>
        %swap3A_242 = vector.shape_cast %add3A_238 : vector<16xf32> to vector<16xf32>
        tpu.vector_store %arg8[%swap3A_239], %swap3A_242 {strides = array<i32>} : memref<8192xf32, #tpu.memory_space<vmem>>, vector<16xf32>,
        %add3A_243 = arith.constant 80 : i32
        %add3A_244 = arith.addi %mul3A_192, %add3A_243 : i32
        %get3A_245 = arith.index_cast %add3A_244 : i32 to index
        %get3A_246 = tpu.vector_load %arg8[%get3A_245] {strides = array<i32>} : memref<8192xf32, #tpu.memory_space<vmem>>, vector<16xf32>,
        %get3A_247 = vector.shape_cast %get3A_246 : vector<16xf32> to vector<16xf32>
        %add3A_248 = arith.addf %get3A_247, %scan3A_189#5 : vector<16xf32>
        %swap3A_249 = arith.index_cast %add3A_244 : i32 to index
        %swap3A_250 = tpu.vector_load %arg8[%swap3A_249] {strides = array<i32>} : memref<8192xf32, #tpu.memory_space<vmem>>, vector<16xf32>,
        %swap3A_251 = vector.shape_cast %swap3A_250 : vector<16xf32> to vector<16xf32>
        %swap3A_252 = vector.shape_cast %add3A_248 : vector<16xf32> to vector<16xf32>
        tpu.vector_store %arg8[%swap3A_249], %swap3A_252 {strides = array<i32>} : memref<8192xf32, #tpu.memory_space<vmem>>, vector<16xf32>,
        %add3A_253 = arith.constant 96 : i32
        %add3A_254 = arith.addi %mul3A_192, %add3A_253 : i32
        %get3A_255 = arith.index_cast %add3A_254 : i32 to index
        %get3A_256 = tpu.vector_load %arg8[%get3A_255] {strides = array<i32>} : memref<8192xf32, #tpu.memory_space<vmem>>, vector<16xf32>,
        %get3A_257 = vector.shape_cast %get3A_256 : vector<16xf32> to vector<16xf32>
        %add3A_258 = arith.addf %get3A_257, %scan3A_189#6 : vector<16xf32>
        %swap3A_259 = arith.index_cast %add3A_254 : i32 to index
        %swap3A_260 = tpu.vector_load %arg8[%swap3A_259] {strides = array<i32>} : memref<8192xf32, #tpu.memory_space<vmem>>, vector<16xf32>,
        %swap3A_261 = vector.shape_cast %swap3A_260 : vector<16xf32> to vector<16xf32>
        %swap3A_262 = vector.shape_cast %add3A_258 : vector<16xf32> to vector<16xf32>
        tpu.vector_store %arg8[%swap3A_259], %swap3A_262 {strides = array<i32>} : memref<8192xf32, #tpu.memory_space<vmem>>, vector<16xf32>,
        %add3A_263 = arith.constant 112 : i32
        %add3A_264 = arith.addi %mul3A_192, %add3A_263 : i32
        %get3A_265 = arith.index_cast %add3A_264 : i32 to index
        %get3A_266 = tpu.vector_load %arg8[%get3A_265] {strides = array<i32>} : memref<8192xf32, #tpu.memory_space<vmem>>, vector<16xf32>,
        %get3A_267 = vector.shape_cast %get3A_266 : vector<16xf32> to vector<16xf32>
        %add3A_268 = arith.addf %get3A_267, %scan3A_189#7 : vector<16xf32>
        %swap3A_269 = arith.index_cast %add3A_264 : i32 to index
        %swap3A_270 = tpu.vector_load %arg8[%swap3A_269] {strides = array<i32>} : memref<8192xf32, #tpu.memory_space<vmem>>, vector<16xf32>,
        %swap3A_271 = vector.shape_cast %swap3A_270 : vector<16xf32> to vector<16xf32>
        %swap3A_272 = vector.shape_cast %add3A_268 : vector<16xf32> to vector<16xf32>
        tpu.vector_store %arg8[%swap3A_269], %swap3A_272 {strides = array<i32>} : memref<8192xf32, #tpu.memory_space<vmem>>, vector<16xf32>,
        %jit3A_273 = arith.constant 16 : i32
        %div3A_274 = arith.divsi %squeeze3A_157, %jit3A_273 : i32
        %sign3A_275 = arith.constant 0 : i32
        %sign3A_276 = arith.cmpi sgt, %squeeze3A_157, %sign3A_275 : i32
        %sign3A_277 = arith.extui %sign3A_276 : i1 to i32
        %sign3A_278 = arith.constant 0 : i32
        %sign3A_279 = arith.cmpi slt, %squeeze3A_157, %sign3A_278 : i32
        %sign3A_280 = arith.extui %sign3A_279 : i1 to i32
        %sign3A_281 = arith.subi %sign3A_277, %sign3A_280 : i32
        %sign3A_282 = arith.constant 0 : i32
        %sign3A_283 = arith.cmpi sgt, %jit3A_273, %sign3A_282 : i32
        %sign3A_284 = arith.extui %sign3A_283 : i1 to i32
        %sign3A_285 = arith.constant 0 : i32
        %sign3A_286 = arith.cmpi slt, %jit3A_273, %sign3A_285 : i32
        %sign3A_287 = arith.extui %sign3A_286 : i1 to i32
        %sign3A_288 = arith.subi %sign3A_284, %sign3A_287 : i32
        %ne3A_289 = arith.cmpi ne, %sign3A_281, %sign3A_288 : i32
        %rem3A_290 = arith.remsi %squeeze3A_157, %jit3A_273 : i32
        %ne3A_291 = arith.constant 0 : i32
        %ne3A_292 = arith.cmpi ne, %rem3A_290, %ne3A_291 : i32
        %and3A_293 = arith.andi %ne3A_289, %ne3A_292 : i1
        %sub3A_294 = arith.constant 1 : i32
        %sub3A_295 = arith.subi %div3A_274, %sub3A_294 : i32
        %select_n3A_296 = arith.select %and3A_293, %sub3A_295, %div3A_274 : i32
        %mul3A_297 = arith.constant 16 : i32
        %mul3A_298 = arith.muli %select_n3A_296, %mul3A_297 : i32
        %get3A_299 = arith.index_cast %mul3A_298 : i32 to index
        %get3A_300 = tpu.vector_load %arg9[%get3A_299] {strides = array<i32>} : memref<64xf32, #tpu.memory_space<vmem>>, vector<16xf32>,
        %get3A_301 = vector.shape_cast %get3A_300 : vector<16xf32> to vector<16xf32>
        %add3A_302 = vector.broadcast %mul3A_298 : i32 to vector<16xi32>
        %add3A_303 = arith.addi %iota3A, %add3A_302 : vector<16xi32>
        %eq3A_304 = vector.broadcast %squeeze3A_157 : i32 to vector<16xi32>
        %eq3A_305 = arith.cmpi eq, %add3A_303, %eq3A_304 : vector<16xi32>
        %jit3A_306 = arith.constant 1.250000e+02 : f32
        %jit3A_307 = arith.constant 0.000000e+00 : f32
        %broadcast_in_dim3A_308 = vector.broadcast %jit3A_306 : f32 to vector<16xf32>
        %broadcast_in_dim3A_309 = vector.broadcast %jit3A_307 : f32 to vector<16xf32>
        %select_n3A_310 = arith.select %eq3A_305, %broadcast_in_dim3A_308, %broadcast_in_dim3A_309 : vector<16xi1>, vector<16xf32>
        %add3A_311 = arith.addf %get3A_301, %select_n3A_310 : vector<16xf32>
        %swap3A_312 = arith.index_cast %mul3A_298 : i32 to index
        %swap3A_313 = tpu.vector_load %arg9[%swap3A_312] {strides = array<i32>} : memref<64xf32, #tpu.memory_space<vmem>>, vector<16xf32>,
        %swap3A_314 = vector.shape_cast %swap3A_313 : vector<16xf32> to vector<16xf32>
        %swap3A_315 = vector.shape_cast %add3A_311 : vector<16xf32> to vector<16xf32>
        tpu.vector_store %arg9[%swap3A_312], %swap3A_315 {strides = array<i32>} : memref<64xf32, #tpu.memory_space<vmem>>, vector<16xf32>,
      } else {
      }
      %ne3A_172 = arith.cmpi ne, %squeeze3A_157, %squeeze3A_166 : i32
      %convert_element_type3A_173 = arith.extui %ne3A_172 : i1 to i32
      %cond3A_174 = arith.constant 1 : i32
      %cond3A_175 = arith.constant 0 : i32
      %cond3A_176 = arith.cmpi ne, %convert_element_type3A_173, %cond3A_175 : i32
      scf.if %cond3A_176 {
        %scan3A_185 = arith.constant 0 : i32
        %scan3A_186 = arith.constant 0 : i32
        %scan3A_187 = arith.constant 125 : i32
        %scan3A_188 = arith.addi %scan3A_186, %scan3A_187 : i32
        %scan3A_189 = arith.constant 1 : i32
        %scan3A_190 = scf.for %scan3A_192 = %scan3A_186 to %scan3A_188 step %scan3A_189 iter_args(%scan3A_193 = %scan3A_185) -> (i32)  : i32 {
          %add3A_194 = arith.addi %add3A_152, %scan3A_192 : i32
          %get3A_195 = arith.index_cast %add3A_194 : i32 to index
          %get3A_196 = tpu.vector_load %arg7[%get3A_195] {strides = array<i32>} : memref<1528xi32, #tpu.memory_space<vmem>>, vector<16xi32>,
          %get3A_197 = vector.shape_cast %get3A_196 : vector<16xi32> to vector<16xi32>
          %slice3A_198 = vector.extract_strided_slice %get3A_197 {offsets = [0], sizes = [1], strides = [1]} : vector<16xi32> to vector<1xi32>
          %squeeze3A_199 = vector.extract %slice3A_198[0] : i32 from vector<1xi32>
          %mul3A_200 = arith.constant 128 : i32
          %mul3A_201 = arith.muli %squeeze3A_199, %mul3A_200 : i32
          %mul3A_202 = arith.constant 128 : i32
          %mul3A_203 = arith.muli %scan3A_192, %mul3A_202 : i32
          %add3A_204 = arith.constant 0 : i32
          %add3A_205 = arith.addi %mul3A_201, %add3A_204 : i32
          %get3A_206 = arith.index_cast %add3A_205 : i32 to index
          %get3A_207 = tpu.vector_load %arg8[%get3A_206] {strides = array<i32>} : memref<8192xf32, #tpu.memory_space<vmem>>, vector<16xf32>,
          %get3A_208 = vector.shape_cast %get3A_207 : vector<16xf32> to vector<16xf32>
          %add3A_209 = arith.constant 0 : i32
          %add3A_210 = arith.addi %mul3A_203, %add3A_209 : i32
          %get3A_211 = arith.constant 0 : i32
          %get3A_212 = tpu.memref_slice %arg6[%cond3A_174, %get3A_211] : memref<2x16000xf32, #tpu.memory_space<vmem>> -> memref<1x16000xf32, #tpu.memory_space<vmem>>
          %get3A_213 = tpu.memref_squeeze %get3A_212 : memref<1x16000xf32, #tpu.memory_space<vmem>> -> memref<16000xf32, #tpu.memory_space<vmem>>
          %get3A_214 = arith.index_cast %add3A_210 : i32 to index
          %get3A_215 = tpu.vector_load %get3A_213[%get3A_214] {strides = array<i32>} : memref<16000xf32, #tpu.memory_space<vmem>>, vector<16xf32>,
          %get3A_216 = vector.shape_cast %get3A_215 : vector<16xf32> to vector<16xf32>
          %add3A_217 = arith.addf %get3A_208, %get3A_216 : vector<16xf32>
          %swap3A_218 = arith.index_cast %add3A_205 : i32 to index
          %swap3A_219 = tpu.vector_load %arg8[%swap3A_218] {strides = array<i32>} : memref<8192xf32, #tpu.memory_space<vmem>>, vector<16xf32>,
          %swap3A_220 = vector.shape_cast %swap3A_219 : vector<16xf32> to vector<16xf32>
          %swap3A_221 = vector.shape_cast %add3A_217 : vector<16xf32> to vector<16xf32>
          tpu.vector_store %arg8[%swap3A_218], %swap3A_221 {strides = array<i32>} : memref<8192xf32, #tpu.memory_space<vmem>>, vector<16xf32>,
          %add3A_222 = arith.constant 16 : i32
          %add3A_223 = arith.addi %mul3A_201, %add3A_222 : i32
          %get3A_224 = arith.index_cast %add3A_223 : i32 to index
          %get3A_225 = tpu.vector_load %arg8[%get3A_224] {strides = array<i32>} : memref<8192xf32, #tpu.memory_space<vmem>>, vector<16xf32>,
          %get3A_226 = vector.shape_cast %get3A_225 : vector<16xf32> to vector<16xf32>
          %add3A_227 = arith.constant 16 : i32
          %add3A_228 = arith.addi %mul3A_203, %add3A_227 : i32
          %get3A_229 = arith.constant 0 : i32
          %get3A_230 = tpu.memref_slice %arg6[%cond3A_174, %get3A_229] : memref<2x16000xf32, #tpu.memory_space<vmem>> -> memref<1x16000xf32, #tpu.memory_space<vmem>>
          %get3A_231 = tpu.memref_squeeze %get3A_230 : memref<1x16000xf32, #tpu.memory_space<vmem>> -> memref<16000xf32, #tpu.memory_space<vmem>>
          %get3A_232 = arith.index_cast %add3A_228 : i32 to index
          %get3A_233 = tpu.vector_load %get3A_231[%get3A_232] {strides = array<i32>} : memref<16000xf32, #tpu.memory_space<vmem>>, vector<16xf32>,
          %get3A_234 = vector.shape_cast %get3A_233 : vector<16xf32> to vector<16xf32>
          %add3A_235 = arith.addf %get3A_226, %get3A_234 : vector<16xf32>
          %swap3A_236 = arith.index_cast %add3A_223 : i32 to index
          %swap3A_237 = tpu.vector_load %arg8[%swap3A_236] {strides = array<i32>} : memref<8192xf32, #tpu.memory_space<vmem>>, vector<16xf32>,
          %swap3A_238 = vector.shape_cast %swap3A_237 : vector<16xf32> to vector<16xf32>
          %swap3A_239 = vector.shape_cast %add3A_235 : vector<16xf32> to vector<16xf32>
          tpu.vector_store %arg8[%swap3A_236], %swap3A_239 {strides = array<i32>} : memref<8192xf32, #tpu.memory_space<vmem>>, vector<16xf32>,
          %add3A_240 = arith.constant 32 : i32
          %add3A_241 = arith.addi %mul3A_201, %add3A_240 : i32
          %get3A_242 = arith.index_cast %add3A_241 : i32 to index
          %get3A_243 = tpu.vector_load %arg8[%get3A_242] {strides = array<i32>} : memref<8192xf32, #tpu.memory_space<vmem>>, vector<16xf32>,
          %get3A_244 = vector.shape_cast %get3A_243 : vector<16xf32> to vector<16xf32>
          %add3A_245 = arith.constant 32 : i32
          %add3A_246 = arith.addi %mul3A_203, %add3A_245 : i32
          %get3A_247 = arith.constant 0 : i32
          %get3A_248 = tpu.memref_slice %arg6[%cond3A_174, %get3A_247] : memref<2x16000xf32, #tpu.memory_space<vmem>> -> memref<1x16000xf32, #tpu.memory_space<vmem>>
          %get3A_249 = tpu.memref_squeeze %get3A_248 : memref<1x16000xf32, #tpu.memory_space<vmem>> -> memref<16000xf32, #tpu.memory_space<vmem>>
          %get3A_250 = arith.index_cast %add3A_246 : i32 to index
          %get3A_251 = tpu.vector_load %get3A_249[%get3A_250] {strides = array<i32>} : memref<16000xf32, #tpu.memory_space<vmem>>, vector<16xf32>,
          %get3A_252 = vector.shape_cast %get3A_251 : vector<16xf32> to vector<16xf32>
          %add3A_253 = arith.addf %get3A_244, %get3A_252 : vector<16xf32>
          %swap3A_254 = arith.index_cast %add3A_241 : i32 to index
          %swap3A_255 = tpu.vector_load %arg8[%swap3A_254] {strides = array<i32>} : memref<8192xf32, #tpu.memory_space<vmem>>, vector<16xf32>,
          %swap3A_256 = vector.shape_cast %swap3A_255 : vector<16xf32> to vector<16xf32>
          %swap3A_257 = vector.shape_cast %add3A_253 : vector<16xf32> to vector<16xf32>
          tpu.vector_store %arg8[%swap3A_254], %swap3A_257 {strides = array<i32>} : memref<8192xf32, #tpu.memory_space<vmem>>, vector<16xf32>,
          %add3A_258 = arith.constant 48 : i32
          %add3A_259 = arith.addi %mul3A_201, %add3A_258 : i32
          %get3A_260 = arith.index_cast %add3A_259 : i32 to index
          %get3A_261 = tpu.vector_load %arg8[%get3A_260] {strides = array<i32>} : memref<8192xf32, #tpu.memory_space<vmem>>, vector<16xf32>,
          %get3A_262 = vector.shape_cast %get3A_261 : vector<16xf32> to vector<16xf32>
          %add3A_263 = arith.constant 48 : i32
          %add3A_264 = arith.addi %mul3A_203, %add3A_263 : i32
          %get3A_265 = arith.constant 0 : i32
          %get3A_266 = tpu.memref_slice %arg6[%cond3A_174, %get3A_265] : memref<2x16000xf32, #tpu.memory_space<vmem>> -> memref<1x16000xf32, #tpu.memory_space<vmem>>
          %get3A_267 = tpu.memref_squeeze %get3A_266 : memref<1x16000xf32, #tpu.memory_space<vmem>> -> memref<16000xf32, #tpu.memory_space<vmem>>
          %get3A_268 = arith.index_cast %add3A_264 : i32 to index
          %get3A_269 = tpu.vector_load %get3A_267[%get3A_268] {strides = array<i32>} : memref<16000xf32, #tpu.memory_space<vmem>>, vector<16xf32>,
          %get3A_270 = vector.shape_cast %get3A_269 : vector<16xf32> to vector<16xf32>
          %add3A_271 = arith.addf %get3A_262, %get3A_270 : vector<16xf32>
          %swap3A_272 = arith.index_cast %add3A_259 : i32 to index
          %swap3A_273 = tpu.vector_load %arg8[%swap3A_272] {strides = array<i32>} : memref<8192xf32, #tpu.memory_space<vmem>>, vector<16xf32>,
          %swap3A_274 = vector.shape_cast %swap3A_273 : vector<16xf32> to vector<16xf32>
          %swap3A_275 = vector.shape_cast %add3A_271 : vector<16xf32> to vector<16xf32>
          tpu.vector_store %arg8[%swap3A_272], %swap3A_275 {strides = array<i32>} : memref<8192xf32, #tpu.memory_space<vmem>>, vector<16xf32>,
          %add3A_276 = arith.constant 64 : i32
          %add3A_277 = arith.addi %mul3A_201, %add3A_276 : i32
          %get3A_278 = arith.index_cast %add3A_277 : i32 to index
          %get3A_279 = tpu.vector_load %arg8[%get3A_278] {strides = array<i32>} : memref<8192xf32, #tpu.memory_space<vmem>>, vector<16xf32>,
          %get3A_280 = vector.shape_cast %get3A_279 : vector<16xf32> to vector<16xf32>
          %add3A_281 = arith.constant 64 : i32
          %add3A_282 = arith.addi %mul3A_203, %add3A_281 : i32
          %get3A_283 = arith.constant 0 : i32
          %get3A_284 = tpu.memref_slice %arg6[%cond3A_174, %get3A_283] : memref<2x16000xf32, #tpu.memory_space<vmem>> -> memref<1x16000xf32, #tpu.memory_space<vmem>>
          %get3A_285 = tpu.memref_squeeze %get3A_284 : memref<1x16000xf32, #tpu.memory_space<vmem>> -> memref<16000xf32, #tpu.memory_space<vmem>>
          %get3A_286 = arith.index_cast %add3A_282 : i32 to index
          %get3A_287 = tpu.vector_load %get3A_285[%get3A_286] {strides = array<i32>} : memref<16000xf32, #tpu.memory_space<vmem>>, vector<16xf32>,
          %get3A_288 = vector.shape_cast %get3A_287 : vector<16xf32> to vector<16xf32>
          %add3A_289 = arith.addf %get3A_280, %get3A_288 : vector<16xf32>
          %swap3A_290 = arith.index_cast %add3A_277 : i32 to index
          %swap3A_291 = tpu.vector_load %arg8[%swap3A_290] {strides = array<i32>} : memref<8192xf32, #tpu.memory_space<vmem>>, vector<16xf32>,
          %swap3A_292 = vector.shape_cast %swap3A_291 : vector<16xf32> to vector<16xf32>
          %swap3A_293 = vector.shape_cast %add3A_289 : vector<16xf32> to vector<16xf32>
          tpu.vector_store %arg8[%swap3A_290], %swap3A_293 {strides = array<i32>} : memref<8192xf32, #tpu.memory_space<vmem>>, vector<16xf32>,
          %add3A_294 = arith.constant 80 : i32
          %add3A_295 = arith.addi %mul3A_201, %add3A_294 : i32
          %get3A_296 = arith.index_cast %add3A_295 : i32 to index
          %get3A_297 = tpu.vector_load %arg8[%get3A_296] {strides = array<i32>} : memref<8192xf32, #tpu.memory_space<vmem>>, vector<16xf32>,
          %get3A_298 = vector.shape_cast %get3A_297 : vector<16xf32> to vector<16xf32>
          %add3A_299 = arith.constant 80 : i32
          %add3A_300 = arith.addi %mul3A_203, %add3A_299 : i32
          %get3A_301 = arith.constant 0 : i32
          %get3A_302 = tpu.memref_slice %arg6[%cond3A_174, %get3A_301] : memref<2x16000xf32, #tpu.memory_space<vmem>> -> memref<1x16000xf32, #tpu.memory_space<vmem>>
          %get3A_303 = tpu.memref_squeeze %get3A_302 : memref<1x16000xf32, #tpu.memory_space<vmem>> -> memref<16000xf32, #tpu.memory_space<vmem>>
          %get3A_304 = arith.index_cast %add3A_300 : i32 to index
          %get3A_305 = tpu.vector_load %get3A_303[%get3A_304] {strides = array<i32>} : memref<16000xf32, #tpu.memory_space<vmem>>, vector<16xf32>,
          %get3A_306 = vector.shape_cast %get3A_305 : vector<16xf32> to vector<16xf32>
          %add3A_307 = arith.addf %get3A_298, %get3A_306 : vector<16xf32>
          %swap3A_308 = arith.index_cast %add3A_295 : i32 to index
          %swap3A_309 = tpu.vector_load %arg8[%swap3A_308] {strides = array<i32>} : memref<8192xf32, #tpu.memory_space<vmem>>, vector<16xf32>,
          %swap3A_310 = vector.shape_cast %swap3A_309 : vector<16xf32> to vector<16xf32>
          %swap3A_311 = vector.shape_cast %add3A_307 : vector<16xf32> to vector<16xf32>
          tpu.vector_store %arg8[%swap3A_308], %swap3A_311 {strides = array<i32>} : memref<8192xf32, #tpu.memory_space<vmem>>, vector<16xf32>,
          %add3A_312 = arith.constant 96 : i32
          %add3A_313 = arith.addi %mul3A_201, %add3A_312 : i32
          %get3A_314 = arith.index_cast %add3A_313 : i32 to index
          %get3A_315 = tpu.vector_load %arg8[%get3A_314] {strides = array<i32>} : memref<8192xf32, #tpu.memory_space<vmem>>, vector<16xf32>,
          %get3A_316 = vector.shape_cast %get3A_315 : vector<16xf32> to vector<16xf32>
          %add3A_317 = arith.constant 96 : i32
          %add3A_318 = arith.addi %mul3A_203, %add3A_317 : i32
          %get3A_319 = arith.constant 0 : i32
          %get3A_320 = tpu.memref_slice %arg6[%cond3A_174, %get3A_319] : memref<2x16000xf32, #tpu.memory_space<vmem>> -> memref<1x16000xf32, #tpu.memory_space<vmem>>
          %get3A_321 = tpu.memref_squeeze %get3A_320 : memref<1x16000xf32, #tpu.memory_space<vmem>> -> memref<16000xf32, #tpu.memory_space<vmem>>
          %get3A_322 = arith.index_cast %add3A_318 : i32 to index
          %get3A_323 = tpu.vector_load %get3A_321[%get3A_322] {strides = array<i32>} : memref<16000xf32, #tpu.memory_space<vmem>>, vector<16xf32>,
          %get3A_324 = vector.shape_cast %get3A_323 : vector<16xf32> to vector<16xf32>
          %add3A_325 = arith.addf %get3A_316, %get3A_324 : vector<16xf32>
          %swap3A_326 = arith.index_cast %add3A_313 : i32 to index
          %swap3A_327 = tpu.vector_load %arg8[%swap3A_326] {strides = array<i32>} : memref<8192xf32, #tpu.memory_space<vmem>>, vector<16xf32>,
          %swap3A_328 = vector.shape_cast %swap3A_327 : vector<16xf32> to vector<16xf32>
          %swap3A_329 = vector.shape_cast %add3A_325 : vector<16xf32> to vector<16xf32>
          tpu.vector_store %arg8[%swap3A_326], %swap3A_329 {strides = array<i32>} : memref<8192xf32, #tpu.memory_space<vmem>>, vector<16xf32>,
          %add3A_330 = arith.constant 112 : i32
          %add3A_331 = arith.addi %mul3A_201, %add3A_330 : i32
          %get3A_332 = arith.index_cast %add3A_331 : i32 to index
          %get3A_333 = tpu.vector_load %arg8[%get3A_332] {strides = array<i32>} : memref<8192xf32, #tpu.memory_space<vmem>>, vector<16xf32>,
          %get3A_334 = vector.shape_cast %get3A_333 : vector<16xf32> to vector<16xf32>
          %add3A_335 = arith.constant 112 : i32
          %add3A_336 = arith.addi %mul3A_203, %add3A_335 : i32
          %get3A_337 = arith.constant 0 : i32
          %get3A_338 = tpu.memref_slice %arg6[%cond3A_174, %get3A_337] : memref<2x16000xf32, #tpu.memory_space<vmem>> -> memref<1x16000xf32, #tpu.memory_space<vmem>>
          %get3A_339 = tpu.memref_squeeze %get3A_338 : memref<1x16000xf32, #tpu.memory_space<vmem>> -> memref<16000xf32, #tpu.memory_space<vmem>>
          %get3A_340 = arith.index_cast %add3A_336 : i32 to index
          %get3A_341 = tpu.vector_load %get3A_339[%get3A_340] {strides = array<i32>} : memref<16000xf32, #tpu.memory_space<vmem>>, vector<16xf32>,
          %get3A_342 = vector.shape_cast %get3A_341 : vector<16xf32> to vector<16xf32>
          %add3A_343 = arith.addf %get3A_334, %get3A_342 : vector<16xf32>
          %swap3A_344 = arith.index_cast %add3A_331 : i32 to index
          %swap3A_345 = tpu.vector_load %arg8[%swap3A_344] {strides = array<i32>} : memref<8192xf32, #tpu.memory_space<vmem>>, vector<16xf32>,
          %swap3A_346 = vector.shape_cast %swap3A_345 : vector<16xf32> to vector<16xf32>
          %swap3A_347 = vector.shape_cast %add3A_343 : vector<16xf32> to vector<16xf32>
          tpu.vector_store %arg8[%swap3A_344], %swap3A_347 {strides = array<i32>} : memref<8192xf32, #tpu.memory_space<vmem>>, vector<16xf32>,
          %jit3A_348 = arith.constant 16 : i32
          %div3A_349 = arith.divsi %squeeze3A_199, %jit3A_348 : i32
          %sign3A_350 = arith.constant 0 : i32
          %sign3A_351 = arith.cmpi sgt, %squeeze3A_199, %sign3A_350 : i32
          %sign3A_352 = arith.extui %sign3A_351 : i1 to i32
          %sign3A_353 = arith.constant 0 : i32
          %sign3A_354 = arith.cmpi slt, %squeeze3A_199, %sign3A_353 : i32
          %sign3A_355 = arith.extui %sign3A_354 : i1 to i32
          %sign3A_356 = arith.subi %sign3A_352, %sign3A_355 : i32
          %sign3A_357 = arith.constant 0 : i32
          %sign3A_358 = arith.cmpi sgt, %jit3A_348, %sign3A_357 : i32
          %sign3A_359 = arith.extui %sign3A_358 : i1 to i32
          %sign3A_360 = arith.constant 0 : i32
          %sign3A_361 = arith.cmpi slt, %jit3A_348, %sign3A_360 : i32
          %sign3A_362 = arith.extui %sign3A_361 : i1 to i32
          %sign3A_363 = arith.subi %sign3A_359, %sign3A_362 : i32
          %ne3A_364 = arith.cmpi ne, %sign3A_356, %sign3A_363 : i32
          %rem3A_365 = arith.remsi %squeeze3A_199, %jit3A_348 : i32
          %ne3A_366 = arith.constant 0 : i32
          %ne3A_367 = arith.cmpi ne, %rem3A_365, %ne3A_366 : i32
          %and3A_368 = arith.andi %ne3A_364, %ne3A_367 : i1
          %sub3A_369 = arith.constant 1 : i32
          %sub3A_370 = arith.subi %div3A_349, %sub3A_369 : i32
          %select_n3A_371 = arith.select %and3A_368, %sub3A_370, %div3A_349 : i32
          %mul3A_372 = arith.constant 16 : i32
          %mul3A_373 = arith.muli %select_n3A_371, %mul3A_372 : i32
          %get3A_374 = arith.index_cast %mul3A_373 : i32 to index
          %get3A_375 = tpu.vector_load %arg9[%get3A_374] {strides = array<i32>} : memref<64xf32, #tpu.memory_space<vmem>>, vector<16xf32>,
          %get3A_376 = vector.shape_cast %get3A_375 : vector<16xf32> to vector<16xf32>
          %add3A_377 = vector.broadcast %mul3A_373 : i32 to vector<16xi32>
          %add3A_378 = arith.addi %iota3A, %add3A_377 : vector<16xi32>
          %eq3A_379 = vector.broadcast %squeeze3A_199 : i32 to vector<16xi32>
          %eq3A_380 = arith.cmpi eq, %add3A_378, %eq3A_379 : vector<16xi32>
          %jit3A_381 = arith.constant 1.000000e+00 : f32
          %jit3A_382 = arith.constant 0.000000e+00 : f32
          %broadcast_in_dim3A_383 = vector.broadcast %jit3A_381 : f32 to vector<16xf32>
          %broadcast_in_dim3A_384 = vector.broadcast %jit3A_382 : f32 to vector<16xf32>
          %select_n3A_385 = arith.select %eq3A_380, %broadcast_in_dim3A_383, %broadcast_in_dim3A_384 : vector<16xi1>, vector<16xf32>
          %add3A_386 = arith.addf %get3A_376, %select_n3A_385 : vector<16xf32>
          %swap3A_387 = arith.index_cast %mul3A_373 : i32 to index
          %swap3A_388 = tpu.vector_load %arg9[%swap3A_387] {strides = array<i32>} : memref<64xf32, #tpu.memory_space<vmem>>, vector<16xf32>,
          %swap3A_389 = vector.shape_cast %swap3A_388 : vector<16xf32> to vector<16xf32>
          %swap3A_390 = vector.shape_cast %add3A_386 : vector<16xf32> to vector<16xf32>
          tpu.vector_store %arg9[%swap3A_387], %swap3A_390 {strides = array<i32>} : memref<64xf32, #tpu.memory_space<vmem>>, vector<16xf32>,
          %scan3A_391 = arith.constant 0 : i32
          scf.yield %scan3A_391 : i32
        }
        %scan3A_191 = arith.constant 125 : i32
      } else {
      }
      %add3A_177 = arith.constant 2 : i32
      %add3A_178 = arith.addi %add3A_135, %add3A_177 : i32
      %lt3A_179 = arith.constant 12 : i32
      %lt3A_180 = arith.cmpi slt, %add3A_178, %lt3A_179 : i32
      %convert_element_type3A_181 = arith.extui %lt3A_180 : i1 to i32
      %cond3A_182 = arith.constant 0 : i32
      %cond3A_183 = arith.cmpi ne, %convert_element_type3A_181, %cond3A_182 : i32
      scf.if %cond3A_183 {
        %add3A_185 = arith.constant 2 : i32
        %add3A_186 = arith.addi %add3A_135, %add3A_185 : i32
        %mul3A_187 = arith.constant 125 : i32
        %mul3A_188 = arith.muli %add3A_186, %mul3A_187 : i32
        %add3A_189 = arith.addi %mul3A_2, %mul3A_188 : i32
        %mul3A_190 = arith.constant 128 : i32
        %mul3A_191 = arith.muli %add3A_189, %mul3A_190 : i32
        %dma_start3A_192 = arith.constant 1 : i32
        %dma_start3A_193 = arith.constant 0 : i32
        %dma_start3A_194 = tpu.memref_slice %arg6[%dma_start3A_192, %dma_start3A_193] : memref<2x16000xf32, #tpu.memory_space<vmem>> -> memref<1x16000xf32, #tpu.memory_space<vmem>>
        %dma_start3A_195 = tpu.memref_squeeze %dma_start3A_194 : memref<1x16000xf32, #tpu.memory_space<vmem>> -> memref<16000xf32, #tpu.memory_space<vmem>>
        %dma_start3A_196 = tpu.memref_slice %arg2[%mul3A_191] : memref<12800000xf32, #tpu.memory_space<hbm>> -> memref<16000xf32, #tpu.memory_space<hbm>>
        %dma_start3A_197 = arith.constant 0 : i32
        %dma_start3A_198 = tpu.memref_slice %arg6[%dma_start3A_192, %dma_start3A_197] : memref<2x16000xf32, #tpu.memory_space<vmem>> -> memref<1x16000xf32, #tpu.memory_space<vmem>>
        %dma_start3A_199 = tpu.memref_squeeze %dma_start3A_198 : memref<1x16000xf32, #tpu.memory_space<vmem>> -> memref<16000xf32, #tpu.memory_space<vmem>>
        %dma_start3A_200 = tpu.memref_slice %arg2[%mul3A_191] : memref<12800000xf32, #tpu.memory_space<hbm>> -> memref<16000xf32, #tpu.memory_space<hbm>>
        tpu.enqueue_dma source(%dma_start3A_200 : memref<16000xf32, #tpu.memory_space<hbm>>) target(%dma_start3A_199 : memref<16000xf32, #tpu.memory_space<vmem>>) target_semaphore(%arg11 : memref<!tpu.dma_semaphore, #tpu.memory_space<semaphore_mem>>)
      } else {
      }
      %scan3A_184 = arith.constant 0 : i32
      scf.yield %scan3A_184 : i32
    }
    %scan3A_78 = arith.constant 6 : i32
    %mul3A_79 = arith.constant 64 : i32
    %mul3A_80 = arith.muli %add3A, %mul3A_79 : i32
    %mul3A_81 = arith.constant 128 : i32
    %mul3A_82 = arith.muli %mul3A_80, %mul3A_81 : i32
    "tpu.region"() ({
      %run_scoped3A = tpu.sem_alloc : memref<!tpu.dma_semaphore, #tpu.memory_space<semaphore_mem>>
      %dma_start3A_85 = tpu.memref_slice %arg4[%mul3A_82] : memref<262144xf32, #tpu.memory_space<hbm>> -> memref<8192xf32, #tpu.memory_space<hbm>>
      %dma_start3A_86 = tpu.memref_slice %arg4[%mul3A_82] : memref<262144xf32, #tpu.memory_space<hbm>> -> memref<8192xf32, #tpu.memory_space<hbm>>
      tpu.enqueue_dma source(%arg8 : memref<8192xf32, #tpu.memory_space<vmem>>) target(%dma_start3A_86 : memref<8192xf32, #tpu.memory_space<hbm>>) target_semaphore(%run_scoped3A : memref<!tpu.dma_semaphore, #tpu.memory_space<semaphore_mem>>)
      %dma_wait3A_87 = tpu.memref_slice %arg4[%mul3A_82] : memref<262144xf32, #tpu.memory_space<hbm>> -> memref<8192xf32, #tpu.memory_space<hbm>>
      %dma_wait3A_88 = tpu.memref_slice %arg4[%mul3A_82] : memref<262144xf32, #tpu.memory_space<hbm>> -> memref<8192xf32, #tpu.memory_space<hbm>>
      tpu.wait_dma2 semaphore(%run_scoped3A : memref<!tpu.dma_semaphore, #tpu.memory_space<semaphore_mem>>) src(%arg8 : memref<8192xf32, #tpu.memory_space<vmem>>) dst(%dma_wait3A_88 : memref<8192xf32, #tpu.memory_space<hbm>>)
      tpu.yield
    }) : () -> ()
    %mul3A_83 = arith.constant 64 : i32
    %mul3A_84 = arith.muli %add3A, %mul3A_83 : i32
    "tpu.region"() ({
      %run_scoped3A = tpu.sem_alloc : memref<!tpu.dma_semaphore, #tpu.memory_space<semaphore_mem>>
      %dma_start3A_85 = tpu.memref_slice %arg5[%mul3A_84] : memref<2048xf32, #tpu.memory_space<hbm>> -> memref<64xf32, #tpu.memory_space<hbm>>
      %dma_start3A_86 = tpu.memref_slice %arg5[%mul3A_84] : memref<2048xf32, #tpu.memory_space<hbm>> -> memref<64xf32, #tpu.memory_space<hbm>>
      tpu.enqueue_dma source(%arg9 : memref<64xf32, #tpu.memory_space<vmem>>) target(%dma_start3A_86 : memref<64xf32, #tpu.memory_space<hbm>>) target_semaphore(%run_scoped3A : memref<!tpu.dma_semaphore, #tpu.memory_space<semaphore_mem>>)
      %dma_wait3A_87 = tpu.memref_slice %arg5[%mul3A_84] : memref<2048xf32, #tpu.memory_space<hbm>> -> memref<64xf32, #tpu.memory_space<hbm>>
      %dma_wait3A_88 = tpu.memref_slice %arg5[%mul3A_84] : memref<2048xf32, #tpu.memory_space<hbm>> -> memref<64xf32, #tpu.memory_space<hbm>>
      tpu.wait_dma2 semaphore(%run_scoped3A : memref<!tpu.dma_semaphore, #tpu.memory_space<semaphore_mem>>) src(%arg9 : memref<64xf32, #tpu.memory_space<vmem>>) dst(%dma_wait3A_88 : memref<64xf32, #tpu.memory_space<hbm>>)
      tpu.yield
    }) : () -> ()
    return
  }
}

module attributes {stable_mosaic.version = 14 : i64} {
  func.func @body(%arg0: i32, %arg1: memref<1x1x4000xi32, #tpu.memory_space<vmem>>, %arg2: memref<4000x128xf32, #tpu.memory_space<vmem>>, %arg3: memref<64x128xf32, #tpu.memory_space<vmem>>, %arg4: memref<64xf32, #tpu.memory_space<vmem>>) attributes {dimension_semantics = [#tpu.dimension_semantics<arbitrary>], iteration_bounds = array<i64: 13>, scalar_prefetch = 0 : i64, scratch_operands = 0 : i64, tpu.core_type = #tpu.core_type<tc>, window_params = [{transform_indices = @transform_0, window_bounds = array<i64: 1, 1, 4000>}, {transform_indices = @transform_1, window_bounds = array<i64: 4000, 128>}, {pipeline_mode = #tpu.pipeline_mode<synchronous>, transform_indices = @transform_2, window_bounds = array<i64: 64, 128>}, {pipeline_mode = #tpu.pipeline_mode<synchronous>, transform_indices = @transform_3, window_bounds = array<i64: 64>}]} {
    %get3A = arith.constant 0 : index
    %get3A_0 = arith.constant 0 : index
    %get3A_1 = arith.constant 0 : index
    %get3A_2 = vector.load %arg1[%get3A, %get3A_0, %get3A_1] : memref<1x1x4000xi32, #tpu.memory_space<vmem>>, vector<1x1x4000xi32>
    %get3A_3 = vector.shape_cast %get3A_2 : vector<1x1x4000xi32> to vector<4000xi32>
    %iota3A = tpu.iota {dimensions = array<i32: 0>} : vector<64x4000xi32>
    %broadcast_in_dim3A = vector.shape_cast %get3A_3 : vector<4000xi32> to vector<1x4000xi32>
    %eq3A = vector.broadcast %broadcast_in_dim3A : vector<1x4000xi32> to vector<64x4000xi32>
    %eq3A_4 = arith.cmpi eq, %eq3A, %iota3A : vector<64x4000xi32>
    %convert_element_type3A = arith.extui %eq3A_4 : vector<64x4000xi1> to vector<64x4000xi32>
    %convert_element_type3A_5 = arith.sitofp %convert_element_type3A : vector<64x4000xi32> to vector<64x4000xf32>
    %get3A_6 = arith.constant 0 : index
    %get3A_7 = arith.constant 0 : index
    %get3A_8 = vector.load %arg2[%get3A_6, %get3A_7] : memref<4000x128xf32, #tpu.memory_space<vmem>>, vector<4000x128xf32>
    %dot_general3A = arith.constant dense<0.000000e+00> : vector<64x128xf32>
    %dot_general3A_9 = tpu.matmul %convert_element_type3A_5, %get3A_8, %dot_general3A {dimension_numbers = #tpu.dot_dimension_numbers<[1], [0], [0], [1], [0, 0, 1, 1], [], []>, transpose_lhs_hint = false} : vector<64x4000xf32>, vector<4000x128xf32>, vector<64x128xf32> -> vector<64x128xf32>
    %reduce_sum3A = arith.constant dense<0.000000e+00> : vector<64xf32>
    %reduce_sum3A_10 = vector.multi_reduction <add>, %convert_element_type3A_5, %reduce_sum3A [1] : vector<64x4000xf32> to vector<64xf32>
    %eq3A_11 = arith.constant 0 : i32
    %eq3A_12 = arith.cmpi eq, %arg0, %eq3A_11 : i32
    %convert_element_type3A_13 = arith.extui %eq3A_12 : i1 to i32
    %cond3A = arith.constant 0 : i32
    %cond3A_14 = arith.cmpi ne, %convert_element_type3A_13, %cond3A : i32
    scf.if %cond3A_14 {
      %swap3A = arith.constant 0 : index
      %swap3A_19 = arith.constant 0 : index
      %swap3A_20 = vector.load %arg3[%swap3A, %swap3A_19] : memref<64x128xf32, #tpu.memory_space<vmem>>, vector<64x128xf32>
      tpu.vector_store %arg3[%swap3A, %swap3A_19], %dot_general3A_9 {strides = array<i32>} : memref<64x128xf32, #tpu.memory_space<vmem>>, vector<64x128xf32>,
      %swap3A_21 = arith.constant 0 : index
      %swap3A_22 = vector.load %arg4[%swap3A_21] : memref<64xf32, #tpu.memory_space<vmem>>, vector<64xf32>
      tpu.vector_store %arg4[%swap3A_21], %reduce_sum3A_10 {strides = array<i32>} : memref<64xf32, #tpu.memory_space<vmem>>, vector<64xf32>,
    } else {
    }
    %gt3A = arith.constant 0 : i32
    %gt3A_15 = arith.cmpi sgt, %arg0, %gt3A : i32
    %convert_element_type3A_16 = arith.extui %gt3A_15 : i1 to i32
    %cond3A_17 = arith.constant 0 : i32
    %cond3A_18 = arith.cmpi ne, %convert_element_type3A_16, %cond3A_17 : i32
    scf.if %cond3A_18 {
      %get3A_19 = arith.constant 0 : index
      %get3A_20 = arith.constant 0 : index
      %get3A_21 = vector.load %arg3[%get3A_19, %get3A_20] : memref<64x128xf32, #tpu.memory_space<vmem>>, vector<64x128xf32>
      %add3A = arith.addf %get3A_21, %dot_general3A_9 : vector<64x128xf32>
      %swap3A = arith.constant 0 : index
      %swap3A_22 = arith.constant 0 : index
      %swap3A_23 = vector.load %arg3[%swap3A, %swap3A_22] : memref<64x128xf32, #tpu.memory_space<vmem>>, vector<64x128xf32>
      tpu.vector_store %arg3[%swap3A, %swap3A_22], %add3A {strides = array<i32>} : memref<64x128xf32, #tpu.memory_space<vmem>>, vector<64x128xf32>,
      %get3A_24 = arith.constant 0 : index
      %get3A_25 = vector.load %arg4[%get3A_24] : memref<64xf32, #tpu.memory_space<vmem>>, vector<64xf32>
      %add3A_26 = arith.addf %get3A_25, %reduce_sum3A_10 : vector<64xf32>
      %swap3A_27 = arith.constant 0 : index
      %swap3A_28 = vector.load %arg4[%swap3A_27] : memref<64xf32, #tpu.memory_space<vmem>>, vector<64xf32>
      tpu.vector_store %arg4[%swap3A_27], %add3A_26 {strides = array<i32>} : memref<64xf32, #tpu.memory_space<vmem>>, vector<64xf32>,
    } else {
    }
    return
  }
  func.func @transform_0(%arg0: i32) -> (i32, i32, i32) {
    %add3A = arith.constant 12 : i32
    %add3A_0 = arith.addi %add3A, %arg0 : i32
    %c0_i32 = arith.constant 0 : i32
    %c0_i32_1 = arith.constant 0 : i32
    %c0_i32_2 = arith.constant 0 : i32
    return %add3A_0, %c0_i32, %c0_i32_1 : i32, i32, i32
  }
  func.func @transform_1(%arg0: i32) -> (i32, i32) {
    %add3A = arith.constant 12 : i32
    %add3A_0 = arith.addi %add3A, %arg0 : i32
    %c0_i32 = arith.constant 0 : i32
    %c0_i32_1 = arith.constant 0 : i32
    return %add3A_0, %c0_i32 : i32, i32
  }
  func.func @transform_2(%arg0: i32) -> (i32, i32) {
    %c0_i32 = arith.constant 0 : i32
    %c0_i32_0 = arith.constant 0 : i32
    %c0_i32_1 = arith.constant 0 : i32
    return %c0_i32, %c0_i32_0 : i32, i32
  }
  func.func @transform_3(%arg0: i32) -> i32 {
    %c0_i32 = arith.constant 0 : i32
    %c0_i32_0 = arith.constant 0 : i32
    return %c0_i32 : i32
  }
}

module attributes {stable_mosaic.version = 14 : i64} {
  func.func @body(%arg0: memref<32x64x128xf32, #tpu.memory_space<vmem>>, %arg1: memref<32x64xf32, #tpu.memory_space<vmem>>, %arg2: memref<64x128xf32, #tpu.memory_space<vmem>>, %arg3: memref<64xf32, #tpu.memory_space<vmem>>, %arg4: memref<64x128xf32, #tpu.memory_space<vmem>>) attributes {dimension_semantics = [], scalar_prefetch = 0 : i64, scratch_operands = 0 : i64, tpu.core_type = #tpu.core_type<tc>} {
    %get3A = arith.constant 0 : index
    %get3A_0 = arith.constant 0 : index
    %get3A_1 = arith.constant 0 : index
    %get3A_2 = vector.load %arg0[%get3A, %get3A_0, %get3A_1] : memref<32x64x128xf32, #tpu.memory_space<vmem>>, vector<32x64x128xf32>
    %reduce_sum3A = arith.constant dense<0.000000e+00> : vector<64x128xf32>
    %reduce_sum3A_3 = vector.multi_reduction <add>, %get3A_2, %reduce_sum3A [0] : vector<32x64x128xf32> to vector<64x128xf32>
    %get3A_4 = arith.constant 0 : index
    %get3A_5 = arith.constant 0 : index
    %get3A_6 = vector.load %arg2[%get3A_4, %get3A_5] : memref<64x128xf32, #tpu.memory_space<vmem>>, vector<64x128xf32>
    %add3A = arith.addf %reduce_sum3A_3, %get3A_6 : vector<64x128xf32>
    %get3A_7 = arith.constant 0 : index
    %get3A_8 = arith.constant 0 : index
    %get3A_9 = vector.load %arg1[%get3A_7, %get3A_8] : memref<32x64xf32, #tpu.memory_space<vmem>>, vector<32x64xf32>
    %reduce_sum3A_10 = arith.constant dense<0.000000e+00> : vector<64xf32>
    %reduce_sum3A_11 = vector.multi_reduction <add>, %get3A_9, %reduce_sum3A_10 [0] : vector<32x64xf32> to vector<64xf32>
    %get3A_12 = arith.constant 0 : index
    %get3A_13 = vector.load %arg3[%get3A_12] : memref<64xf32, #tpu.memory_space<vmem>>, vector<64xf32>
    %add3A_14 = arith.addf %reduce_sum3A_11, %get3A_13 : vector<64xf32>
    %max3A = arith.constant 1.000000e+00 : f32
    %max3A_15 = vector.broadcast %max3A : f32 to vector<64xf32>
    %max3A_16 = arith.maximumf %add3A_14, %max3A_15 : vector<64xf32>
    %broadcast_in_dim3A = vector.shape_cast %max3A_16 : vector<64xf32> to vector<64x1xf32>
    %div3A = vector.broadcast %broadcast_in_dim3A : vector<64x1xf32> to vector<64x128xf32>
    %div3A_17 = arith.divf %add3A, %div3A : vector<64x128xf32>
    %swap3A = arith.constant 0 : index
    %swap3A_18 = arith.constant 0 : index
    %swap3A_19 = vector.load %arg4[%swap3A, %swap3A_18] : memref<64x128xf32, #tpu.memory_space<vmem>>, vector<64x128xf32>
    tpu.vector_store %arg4[%swap3A, %swap3A_18], %div3A_17 {strides = array<i32>} : memref<64x128xf32, #tpu.memory_space<vmem>>, vector<64x128xf32>,
    return
  }
}

</mosaic_0001>

<sc_bundles>
// kernel: kernel.5.cloned.1.call-start
scs
__scs_entry_jumppad:
0x0: {  	(pc) =	sbr.rel $0x88, $3  }
0x1: {  	(tag) =	ssettag $0x0;
	lr =	simm.s32 $0x1  }
0x2: {  	[smem:$0x3F9F] =	sst lr;
	_ =	strace $0xD0000000  }
0x3: {  	_ = 	snop  }
0x4: {  	_ = 	snop  }
0x5: {  	_ = 	snop  }
0x6: {  	_ = 	snop  }
0x7: {  	_ = 	snop  }
__scs_overlays_trampoline_lowered:
0x8: {  	[smem:$0x3FAE] =	sst s0  }
0x9: {  	[smem:$0x3FAF] =	sst s1  }
0xa: {  	[smem:$0x3FB0] =	sst s2  }
0xb: {  	[smem:$0x3FB1] =	sst s3  }
0xc: {  	[smem:$0x3FB2] =	sst s4  }
0xd: {  	[smem:$0x3FB3] =	sst s5  }
0xe: {  	[smem:$0x3FB4] =	sst s6  }
0xf: {  	[smem:$0x3FB5] =	sst s7  }
0x10: {  	[smem:$0x3FB6] =	sst s8  }
0x11: {  	[smem:$0x3FB7] =	sst s9;
	s0 =	simm.s32 @!p0 $0x0  }
0x12: {  	s1 =	sld [smem:$0x3F9D];
	s0 =	simm.s32 @p0 $0x1  }
0x13: {  	[smem:$0x3FB8] =	sst s0;
	s0 =	simm.s32 @!p1 $0x0  }
0x14: {  	s2 =	sld [smem:$0x3F9C];
	s0 =	simm.s32 @p1 $0x1  }
0x15: {  	[smem:$0x3FB9] =	sst s0;
	s0 =	simm.s32 @!p2 $0x0  }
0x16: {  	s3 =	sld [smem:$0x3FDB];
	s0 =	simm.s32 @p2 $0x1  }
0x17: {  	s4 =	simm.s32 $0x1BF5;
	[smem:$0x3FBB] =	sst s0  }
0x18: {  	s0 =	sld [smem:$0x3F9E];
	_ =	swait.ge [sflag:s4], $0x0  }
0x19: {  	s7 =	sld [smem:$0x3F9F]  }
0x1a: {  	s8 =	sadd.s32 $0xFFFFE003, lr  }
0x1b: {  	s9 =	sadd.s32 $0xFFFFFEF7, lr;
	s5 =	simm.s32 $0xFFFFFFFF;
	p2 =	slt.u32 s8, $0xFFFFF086  }
0x1c: {  	p1 =	slt.u32 s9, $0xF7A;
	s5 =	simm.s32 @!p2 $0x0  }
0x1d: {  	s5 =	simm.s32 @p1 $0x1;
	p0 =	seq.s32 s7, s2  }
0x1e: {  	s7 =	smul.u32 @!p0 $0xF7A, s2;
	p2 =	seq.s32 @!p0 s5, $0x0  }
0x1f: {  	s9 =	smul.u32 $0xF7A, s1;
	s8 =	simm.s32 @!p0 $0x1BF5;
	p2 =	por !p2, p0  }
0x20: {  	[sflag:s8] =	ssyncset.s32 @!p0 $0xFFFFF086;
	s6 =	sadd.s32 @!p0 s3, s7;
	s7 =	simm.s32 @!p0 $0x108  }
0x21: {  	s3 =	sadd.s32 s3, s9;
	s6 =	sadd.s32 @!p0 $0x88, s6;
	s7 =	simm.s32 @p2 $0x1082  }
0x22: {  	[simem:s7], [sflag:s8] =	dma.local @!p0 [hbm:s6], $0xF7A  }
0x23: {  	s9 =	sor.u32 $0xD0000000, s2;
	s6 =	simm.s32 $0x108;
	_ =	swait.ge @!p0 [sflag:s8], $0x0  }
0x24: {  	s3 =	sadd.s32 $0x88, s3;
	s6 =	simm.s32 @!p1 $0x1082;
	[sflag:s4] =	ssyncset.s32 $0xFFFFF086  }
0x25: {  	[simem:s6], [sflag:s4] =	dma.local [hbm:s3], $0xF7A  }
0x26: {  	[smem:$0x3F9F] =	sst s1;
	(tag) =	ssettag s2;
	_ =	strace s9  }
0x27: {  	s1 =	sld [smem:$0x3FAF]  }
0x28: {  	s2 =	sld [smem:$0x3FB0]  }
0x29: {  	s4 =	sld [smem:$0x3FB2]  }
0x2a: {  	p0 =	seq.s32 s5, $0x0;
	s5 =	sld [smem:$0x3FB3]  }
0x2b: {  	s6 =	sld [smem:$0x3FB4]  }
0x2c: {  	s7 =	sld [smem:$0x3FB5]  }
0x2d: {  	s3 =	simm.s32 $0x108;
	s8 =	sld [smem:$0x3FB6]  }
0x2e: {  	s3 =	simm.s32 @!p0 $0x1082;
	s9 =	sld [smem:$0x3FB7]  }
0x2f: {  	lr =	sadd.s32 s0, s3;
	s0 =	sld [smem:$0x3FAE]  }
0x30: {  	s3 =	sld [smem:$0x3FB1]  }
0x31: {  	[smem:$0x3FBA] =	sst s10  }
0x32: {  	s10 =	sld [smem:$0x3FB8];
	_ =	sdelay $0x3  }
0x33: {  	p0 =	seq.s32 s10, $0x1;
	s10 =	sld [smem:$0x3FBA];
	_ =	sdelay $0x3  }
0x34: {  	[smem:$0x3FBA] =	sst s10  }
0x35: {  	s10 =	sld [smem:$0x3FB9];
	_ =	sdelay $0x3  }
0x36: {  	p1 =	seq.s32 s10, $0x1;
	s10 =	sld [smem:$0x3FBA];
	_ =	sdelay $0x3  }
0x37: {  	[smem:$0x3FBA] =	sst s10  }
0x38: {  	s10 =	sld [smem:$0x3FBB]  }
0x39: {  	_ = 	snop;
	(pc) =	sbr.ind lr, $3  }
0x3a: {  	_ = 	snop  }
0x3b: {  	_ = 	snop  }
0x3c: {  	p2 =	seq.s32 s10, $0x1;
	s10 =	sld [smem:$0x3FBA]  }
0x3d: {  	_ =	shalt  }
0x3e: {  	_ =	shalt  }
0x3f: {  	_ =	shalt  }
0x40: {  	_ =	shalt  }
0x41: {  	_ =	shalt  }
0x42: {  	_ =	shalt  }
0x43: {  	_ =	shalt  }
0x44: {  	_ =	shalt  }
0x45: {  	_ =	shalt  }
0x46: {  	_ =	shalt  }
0x47: {  	_ =	shalt  }
0x48: {  	_ =	shalt  }
0x49: {  	_ =	shalt  }
0x4a: {  	_ =	shalt  }
0x4b: {  	_ =	shalt  }
0x4c: {  	_ =	shalt  }
0x4d: {  	_ =	shalt  }
0x4e: {  	_ =	shalt  }
0x4f: {  	_ =	shalt  }
0x50: {  	_ =	shalt  }
0x51: {  	_ =	shalt  }
0x52: {  	_ =	shalt  }
0x53: {  	_ =	shalt  }
0x54: {  	_ =	shalt  }
0x55: {  	_ =	shalt  }
0x56: {  	_ =	shalt  }
0x57: {  	_ =	shalt  }
0x58: {  	_ =	shalt  }
0x59: {  	_ =	shalt  }
0x5a: {  	_ =	shalt  }
0x5b: {  	_ =	shalt  }
0x5c: {  	_ =	shalt  }
0x5d: {  	_ =	shalt  }
0x5e: {  	_ =	shalt  }
0x5f: {  	_ =	shalt  }
0x60: {  	_ =	shalt  }
0x61: {  	_ =	shalt  }
0x62: {  	_ =	shalt  }
0x63: {  	_ =	shalt  }
0x64: {  	_ =	shalt  }
0x65: {  	_ =	shalt  }
0x66: {  	_ =	shalt  }
0x67: {  	_ =	shalt  }
0x68: {  	_ =	shalt  }
0x69: {  	_ =	shalt  }
0x6a: {  	_ =	shalt  }
0x6b: {  	_ =	shalt  }
0x6c: {  	_ =	shalt  }
0x6d: {  	_ =	shalt  }
0x6e: {  	_ =	shalt  }
0x6f: {  	_ =	shalt  }
0x70: {  	_ =	shalt  }
0x71: {  	_ =	shalt  }
0x72: {  	_ =	shalt  }
0x73: {  	_ =	shalt  }
0x74: {  	_ =	shalt  }
0x75: {  	_ =	shalt  }
0x76: {  	_ =	shalt  }
0x77: {  	_ =	shalt  }
0x78: {  	_ =	shalt  }
0x79: {  	_ =	shalt  }
0x7a: {  	_ =	shalt  }
0x7b: {  	_ =	shalt  }
0x7c: {  	_ =	shalt  }
0x7d: {  	_ =	shalt  }
0x7e: {  	_ =	shalt  }
0x7f: {  	_ =	shalt  }
0x80: {  	_ =	shalt  }
0x81: {  	_ =	shalt  }
0x82: {  	_ =	shalt  }
0x83: {  	_ =	shalt  }
0x84: {  	_ =	shalt  }
0x85: {  	_ =	shalt  }
0x86: {  	_ =	shalt  }
0x87: {  	_ =	shalt  }
.Lfunc_end0:
.L_simem_size_0:
called_computation_lowered:
.L_overlay_start_0:
0x88: {  	s2 =	sld [smem:$0x3FD9]  }
0x89: {  	s3 =	sld [smem:$0x3FFE];
	_ =	sdelay $0x1  }
0x8a: {  	s1 =	srdreg.scid  }
0x8b: {  	s0 =	sand.u32 $0x1, s1  }
0x8c: {  	s17 =	sshll.u32 s0, $0xA;
	s2 =	sadd.s32 s3, s2  }
0x8d: {  	s2 =	sadd.s32 s2, s17  }
0x8e: {  	[smem:$0x3FC6] =	sst s2  }
0x8f: {  	_ = 	snop  }
0x90: {  	s2 =	sld [smem:$0x3FC9]  }
0x91: {  	s18 =	sld [smem:$0x3FC8]  }
0x92: {  	s4 =	sld [smem:$0x3FD0];
	(tm) =	ssettm $0x1  }
0x93: {  	s5 =	sld [smem:$0x3FFB];
	_ =	sdelay $0x3  }
0x94: {  	_ =	strace s5  }
0x95: {  	s5 =	sld [smem:$0x3FFC];
	_ =	sdelay $0x3  }
0x96: {  	_ =	strace s5  }
0x97: {  	s5 =	sld [smem:$0x3FFD];
	_ =	sdelay $0x3  }
0x98: {  	_ =	strace s5  }
0x99: {  	_ =	strace $0x8FFFFFFF  }
0x9a: {  	s19 =	sld [smem:$0x3FDB];
	_ =	sdelay $0x1  }
0x9b: {  	s6 =	simm.s32 $_scs_section_size  }
0x9c: {  	s7 =	simm.s32 $_size__tile_overlayer_lowered;
	s8 =	simm.s32 $_tile_overlayer_lowered  }
0x9d: {  	s22 =	simm.s32 $0x1BFF;
	s21 =	sshll.u32 s8, $0x1;
	s5 =	sadd.s32 s6, s19  }
0x9e: {  	s9 =	simm.s32 $0x0;
	s20 =	sshll.u32 s7, $0x1;
	s7 =	sadd.s32 s21, s5  }
0x9f: {  	[timem:s9], [sflag:s22] =	dma.local [hbm:s7], s20  }
0xa0: {  	_ =	swait.ge [sflag:s22], s20  }
0xa1: {  	s6 =	ssub.s32 $0x0, s20;
	[sflag:s22] =	ssyncset.done $0x0  }
0xa2: {  	[sflag:s22] =	ssyncadd.s32 s6;
	_ =	sdelay $0x1  }
0xa3: {  	s23 =	simm.s32 $0x1B8B  }
0xa4: {  	_ =	swait.ge [sflag:s23], $0x1  }
0xa5: {  	[sflag:s23] =	ssyncset.done $0x0  }
0xa6: {  	s25 =	simm.s32 $0x1B8E;
	s24 =	sld [smem:$0x3FFE];
	[sflag:s23] =	ssyncadd.s32 $0xFFFFFFFF  }
0xa7: {  	s26 =	simm.s32 $execute0_lowered;
	[smem:$0x3FD2] =	sst s25  }
0xa8: {  	s7 =	sshll.u32 s26, $0x1;
	_ =	strace $0x80000046;
	[dreg:$0x1] =	wrdreg $0xFFFFFFFF  }
0xa9: {  	s28 =	simm.s32 $_size_execute0_lowered;
	s5 =	sadd.s32 s5, s7;
	[dreg:$0x0] =	wrdreg $0x0  }
0xaa: {  	s7 =	sshll.u32 s28, $0x1;
	[dreg:$0x2] =	wrdreg s5  }
0xab: {  	[dreg:$0x3] =	wrdreg s7  }
0xac: {  	[dreg:$0x4] =	wrdreg $0xC0  }
0xad: {  	_ =	task [dreg:s9], $0x5FFFF  }
0xae: {  	[dreg:$0x1] =	wrdreg $0xFFFFFFFF  }
0xaf: {  	[dreg:$0x0] =	wrdreg $0x60  }
0xb0: {  	[dreg:$0x2] =	wrdreg s2  }
0xb1: {  	[dreg:$0x3] =	wrdreg s18  }
0xb2: {  	[dreg:$0x4] =	wrdreg s24  }
0xb3: {  	[dreg:$0x5] =	wrdreg s4  }
0xb4: {  	[dreg:$0x6] =	wrdreg $0x9  }
0xb5: {  	_ =	task.clear_ibuf [dreg:s9], $0x7FFFF;
	_ =	strace $0x90000046  }
0xb6: {  	s29 =	simm.s32 $0x9;
	_ =	strace $0x80000048  }
0xb7: {  	_ =	swait.ge [sflag:s29], $0x1  }
0xb8: {  	[sflag:s29] =	ssyncadd.s32 $0xFFFFFFFF  }
0xb9: {  	_ =	strace $0x90000048  }
0xba: {  	_ =	sfence  }
0xbb: {  	s30 =	sld [smem:$0x0];
	_ =	sdelay $0x2  }
0xbc: {  	s31 =	sshll.u32 s1, $0xD;
	s1 =	sshrl.u32 s1, $0x2  }
0xbd: {  	s3 =	sand.u32 $0x4000, s31;
	s1 =	sadd.s32 s1, s30  }
0xbe: {  	s0 =	sor.u32 s3, s0;
	s1 =	sshll.u32 s1, $0x11  }
0xbf: {  	s0 =	sor.u32 s1, s0  }
0xc0: {  	s0 =	sadd.s32 $0x8F2B, s0  }
0xc1: {  	[sflag:s0] =	ssyncadd.remote.s32 $0x1  }
0xc2: {  	_ =	sfence.sel $0xFFFF  }
0xc3: {  	[dreg:$0x0] =	wrdreg $0xFFFFFFFF;
	(pc) =	sbr.abs _section_cstart, $3  }
0xc4: {  	[dreg:$0x1] =	wrdreg $0xFFFFFFFF  }
0xc5: {  	_ =	task.clear_ibuf [dreg:s9], $0x2FFFF;
	_ =	strace $0x9FFFFFFF  }
0xc6: {  	(tm) =	ssettm $0x7FFFFFFF  }
0xc7: {  	_ =	shalt  }
tec
execute0_lowered:
.L_overlay_start_1:
0x0: {  	(tag) =	ssettag $0x1  }
0x1: {  	s1 =	rddreg [dreg:$0x0]  }
0x2: {  	s0 =	rddreg [dreg:$0x1]  }
0x3: {  	s2 =	rddreg [dreg:$0x2]  }
0x4: {  	s11 =	rddreg [dreg:$0x3]  }
0x5: {  	s3 =	simm.s32 $0x0;
	s4 =	srdreg.scid;
	s5 =	stileid.u32  }
0x6: {  	s16 =	simm.s32 $0x3;
	s17 =	simm.s32 $0x1;
	s18 =	simm.s32 $0x2  }
0x7: {  	[smem:$0x7FF] =	sst s3;
	s12 =	sand.u32 $0x1, s4;
	s21 =	sshll.u32 s5, $0x1  }
0x8: {  	s20 =	simm.s32 $0x4;
	_ =	strace $0x80000047;
	s13 =	sor.u32 s12, s21  }
0x9: {  	s22 =	ssub.s32 $0x2, s12;
	s29 =	sshll.u32 s12, $0x4;
	s6 =	smul.u32 $0x2EE00, s13  }
0xa: {  	s4 =	sshll.u32 s13, $0xA;
	s23 =	sshrl.u32 s22, $0x1;
	s9 =	smul.u32 $0x5DC, s13  }
0xb: {  	s24 =	smul.u32 $0x5DC0, s13;
	s28 =	sshll.u32 s13, $0x3;
	s30 =	sshrl.u32 s29, $0x2  }
0xc: {  	s2 =	sadd.s32 s4, s2;
	s14 =	ssub.s32 s22, s23;
	s11 =	sadd.s32 s11, s28  }
0xd: {  	s13 =	sor.u32 $0x7D00, s30;
	s22 =	simm.s32 $0x0;
	s25 =	sshrl.u32 s6, $0x3  }
.Ltmp0:
0xe: {  	s7 =	sand.u32 $0x4, s9;
	s26 =	sshrl.u32 s9, $0x3;
	(pc) =	sbr.rel .LBB2_1-.Ltmp0, $4  }
0xf: {  	s5 =	sadd.s32 s1, s24;
	s10 =	sadd.s32 $0xE00, s2;
	s2 =	sadd.s32 $0x1F4, s29  }
0x10: {  	s12 =	smax.u32 s14, $0x1;
	s8 =	sadd.s32 s1, s25;
	s4 =	sadd.s32 s0, s26  }
0x11: {  	s7 =	sor.u32 $0x7D00, s7;
	s31 =	sshrl.u32 s2, $0x2;
	s6 =	sadd.s32 $0x7D0, s8  }
0x12: {  	v0 =	vimm.f32 $0.0e+00;
	v1 =	vlaneseq.u32;
	s8 =	sadd.s32 $0xFA, s9;
	s9 =	sadd.s32 $0x177, s9;
	s14 =	sor.u32 $0x7D00, s31;
	v2 =	vmov s7  }
.LBB2_30:
0x13: {  	s0 =	simm.s32 $0x8300  }
0x14: {  	[hbm4b:s10+s3] =	stream.linear.scatter [tilespmem:s0], [sflag:$0x4], $0x2000, $0x38;
	[tilespmem:$0xA380] =	vst v63  }
0x15: {  	s22 =	sadd.s32 $0x1, s22;
	_ =	swait.ge [sflag:s20], $0x2000  }
0x16: {  	p0 =	sne.s32 s22, s12;
	[sflag:s20] =	ssyncset.done $0x0  }
.Ltmp1:
0x17: {  	s31 =	simm.s32 $0xA300;
	[sflag:s20] =	ssyncadd.s32 $0xFFFFE000;
	(pc) =	sbr.rel @!p0 .LBB2_31-.Ltmp1, $4  }
0x18: {  	[hbm4b:s11+s3] =	stream.linear.scatter [tilespmem:s31], [sflag:$0x4], $0x40, $0x38;
	[tilespmem:$0xA380] =	vst v63  }
0x19: {  	_ =	swait.ge [sflag:s20], $0x40  }
0x1a: {  	[sflag:s20] =	ssyncset.done $0x0  }
0x1b: {  	[sflag:s20] =	ssyncadd.s32 $0xFFFFFFC0  }
.LBB2_1:
0x1c: {  	s0 =	simm.s32 $0x7D00;
	s23 =	sadd.s32 $0x0, s5  }
0x1d: {  	[tilespmem:s0], [sflag:$0x3] =	stream.linear.gather [hbm4b:s4+s3], $0x5F8, $0x38;
	[tilespmem:$0xA380] =	vst v63  }
0x1e: {  	s2 =	simm.s32 $0x100;
	s15 =	simm.s32 $0x0;
	s0 =	simm.s32 $0x10  }
.LBB2_2:
0x1f: {  	[tilespmem:s15], [sflag:$0x1] =	stream.linear.gather [hbm4b:s23+s3], $0x80, $0x38;
	[tilespmem:$0xA380] =	vst v63  }
0x20: {  	s23 =	smov.u32 s0;
	s15 =	smov.u32 s2;
	p0 =	sne.s32 s0, $0x7C0  }
.Ltmp2:
0x21: {  	s0 =	sadd.s32 $0x10, s0;
	(pc) =	sbr.rel @p0 .LBB2_2-.Ltmp2, $2  }
0x22: {  	_ =	sdelay $0x2  }
0x23: {  	s2 =	sadd.s32 $0x100, s2;
	s23 =	sadd.s32 s23, s5  }
0x24: {  	[tilespmem:s15], [sflag:$0x1] =	stream.linear.gather [hbm4b:s23+s3], $0x80, $0x38;
	[tilespmem:$0xA380] =	vst v63  }
0x25: {  	s0 =	simm.s32 $0x0;
	s2 =	simm.s32 $0x80  }
0x26: {  	s15 =	simm.s32 $0x10;
	s24 =	sadd.s32 $0x0, s6;
	s23 =	simm.s32 $0x180  }
.LBB2_4:
0x27: {  	[tilespmem:s2], [sflag:$0x2] =	stream.linear.gather [hbm4b:s24+s0], $0x80, $0x38;
	[tilespmem:$0xA380] =	vst v63  }
0x28: {  	s24 =	smov.u32 s15;
	s2 =	smov.u32 s23;
	p0 =	sne.s32 s15, $0x7C0  }
.Ltmp3:
0x29: {  	s15 =	sadd.s32 $0x10, s15;
	(pc) =	sbr.rel @p0 .LBB2_4-.Ltmp3, $2  }
0x2a: {  	_ =	sdelay $0x2  }
0x2b: {  	s23 =	sadd.s32 $0x100, s23;
	s24 =	sadd.s32 s24, s6  }
0x2c: {  	[tilespmem:s2], [sflag:$0x2] =	stream.linear.gather [hbm4b:s24+s0], $0x80, $0x38;
	[tilespmem:$0xA380] =	vst v63  }
0x2d: {  	s0 =	simm.s32 $0x40;
	s2 =	simm.s32 $0x0  }
.LBB2_6:
0x2e: {  	p0 =	sne.s32 s0, $0x7FC0;
	[tilespmem:s2+$0x8300] =	vst v0;
	s2 =	smov.u32 s0;
	s0 =	sadd.s32 $0x40, s0  }
.Ltmp4:
0x2f: {  	(pc) =	sbr.rel @p0 .LBB2_6-.Ltmp4, $2  }
0x30: {  	_ =	sdelay $0x2  }
0x31: {  	s2 =	sshra.s32 s2, $0x2  }
0x32: {  	[tilespmem:s2+$0x8300] =	vst v0  }
0x33: {  	[tilespmem:$0xA300] =	vst v0  }
0x34: {  	[tilespmem:$0xA310] =	vst v0  }
0x35: {  	[tilespmem:$0xA320] =	vst v0  }
0x36: {  	[tilespmem:$0xA330] =	vst v0  }
0x37: {  	_ =	swait.ge [sflag:s16], $0x5F8  }
0x38: {  	s23 =	simm.s32 $0x0;
	s24 =	smov.u32 s14;
	[sflag:s16] =	ssyncset.done $0x0  }
0x39: {  	s25 =	smov.u32 s13;
	s26 =	simm.s32 $0x0;
	[sflag:s16] =	ssyncadd.s32 $0xFFFFFA08  }
.LBB2_8:
0x3a: {  	_ = 	snop  }
0x3b: {  	_ =	swait.ge [sflag:s17], $0x3E80  }
0x3c: {  	s28 =	smul.u32 $0xFA, s26;
	[sflag:s17] =	ssyncset.done $0x0  }
0x3d: {  	[sflag:s17] =	ssyncadd.s32 $0xFFFFC180  }
0x3e: {  	v3 =	vld.idx.msk [tilespmem:v2+s28+$0x0 ss:$0x1], $0xffff  }
0x3f: {  	v4 =	vld.idx.msk [tilespmem:v2+s28+$0x6D ss:$0x1], $0xffff;
	_ =	sdelay $0x3  }
0x40: {  	(v2sf) =	vpush v3, $0x0  }
0x41: {  	(v2sf) =	vpush v4, $0xF;
	_ =	sdelay $0xd  }
0x42: {  	s0 =	spop (v2sf)  }
0x43: {  	s2 =	spop (v2sf)  }
0x44: {  	p0 =	sne.s32 s0, s2  }
.Ltmp5:
0x45: {  	_ = 	snop;
	(pc) =	sbr.rel @p0 .LBB2_12-.Ltmp5, $2  }
0x46: {  	_ =	sdelay $0x2  }
0x47: {  	s30 =	simm.s32 $0x40;
	v5 =	vimm.f32 $0.0e+00;
	s29 =	sadd.s32 s28, s7  }
0x48: {  	s30 =	sshra.s32 s23, $0x2  }
0x49: {  	v4 =	vld [tilespmem:s30+$0x70]  }
0x4a: {  	v6 =	vld [tilespmem:s30+$0x0]  }
0x4b: {  	v8 =	vld [tilespmem:s30+$0x10]  }
0x4c: {  	v12 =	vld [tilespmem:s30+$0x20]  }
0x4d: {  	v10 =	vld [tilespmem:s30+$0x30]  }
0x4e: {  	v14 =	vimm.f32 $0.0e+00;
	v11 =	vld [tilespmem:s30+$0x40]  }
0x4f: {  	s15 =	sadd.s32 $0x400, s23;
	v13 =	vimm.f32 $0.0e+00;
	v9 =	vimm.f32 $0.0e+00;
	v15 =	vld [tilespmem:s30+$0x50];
	v4 =	vadd.f32 v4, v5  }
0x50: {  	s2 =	sshra.s32 s15, $0x2;
	s15 =	sadd.s32 $0x400, s15;
	v16 =	vld [tilespmem:s30+$0x60];
	v7 =	vadd.f32 v6, v5;
	v6 =	vadd.f32 v8, v5;
	v8 =	vimm.f32 $0.0e+00  }
.LBB2_10:
0x51: {  	p0 =	sne.s32 s15, $0x1F000;
	v17 =	vld [tilespmem:s2+$0x70];
	v5 =	vadd.f32 v12, v5  }
0x52: {  	v18 =	vld [tilespmem:s2+$0x0];
	v8 =	vadd.f32 v10, v8  }
0x53: {  	v19 =	vld [tilespmem:s2+$0x10];
	v14 =	vadd.f32 v11, v14  }
.Ltmp6:
0x54: {  	v12 =	vld [tilespmem:s2+$0x20];
	v13 =	vadd.f32 v15, v13;
	(pc) =	sbr.rel @p0 .LBB2_10-.Ltmp6, $4  }
0x55: {  	v10 =	vld [tilespmem:s2+$0x30];
	v9 =	vadd.f32 v16, v9  }
0x56: {  	v11 =	vld [tilespmem:s2+$0x40];
	v4 =	vadd.f32 v17, v4  }
0x57: {  	v7 =	vadd.f32 v18, v7;
	v15 =	vld [tilespmem:s2+$0x50]  }
0x58: {  	v6 =	vadd.f32 v19, v6;
	v16 =	vld [tilespmem:s2+$0x60];
	s2 =	sshra.s32 s15, $0x2;
	s15 =	sadd.s32 $0x400, s15  }
0x59: {  	v17 =	vld [tilespmem:s2+$0x70]  }
0x5a: {  	v18 =	vld [tilespmem:s2+$0x0]  }
0x5b: {  	v19 =	vld [tilespmem:s2+$0x10]  }
0x5c: {  	v20 =	vld [tilespmem:s2+$0x20]  }
0x5d: {  	v21 =	vld [tilespmem:s2+$0x30]  }
0x5e: {  	v22 =	vld [tilespmem:s2+$0x40]  }
0x5f: {  	v23 =	vld [tilespmem:s2+$0x50];
	s15 =	sshll.u32 s0, $0x9  }
0x60: {  	v24 =	vld [tilespmem:s2+$0x60];
	s19 =	sshra.s32 s15, $0x2  }
0x61: {  	v25 =	vld [tilespmem:s19+$0x8300]  }
0x62: {  	v5 =	vadd.f32 v12, v5;
	v49 =	vld [tilespmem:s19+$0x8310]  }
0x63: {  	v8 =	vadd.f32 v10, v8;
	v50 =	vadd.f32 v11, v14;
	v51 =	vld [tilespmem:s19+$0x8320]  }
0x64: {  	v52 =	vld [tilespmem:s19+$0x8330];
	v13 =	vadd.f32 v15, v13;
	v7 =	vadd.f32 v18, v7  }
0x65: {  	v53 =	vld [tilespmem:s19+$0x8340];
	v9 =	vadd.f32 v16, v9;
	v6 =	vadd.f32 v19, v6  }
0x66: {  	v54 =	vld [tilespmem:s19+$0x8350];
	v5 =	vadd.f32 v20, v5;
	v7 =	vadd.f32 v25, v7  }
0x67: {  	v56 =	vld [tilespmem:s19+$0x8370];
	v8 =	vadd.f32 v21, v8;
	v6 =	vadd.f32 v49, v6  }
0x68: {  	v55 =	vld [tilespmem:s19+$0x8360];
	v10 =	vadd.f32 v22, v50;
	v5 =	vadd.f32 v51, v5;
	[tilespmem:s19+$0x8300] =	vst v7  }
0x69: {  	s21 =	sand.u32 $0xF, s0;
	v57 =	vadd.f32 v23, v13;
	v58 =	vadd.f32 v52, v8;
	[tilespmem:s19+$0x8310] =	vst v6  }
0x6a: {  	s30 =	sshra.s32 s0, $0x1F;
	p1 =	slt.s32 s0, $0x1;
	p0 =	sne.s32 s21, $0x0;
	v4 =	vadd.f32 v17, v4;
	v60 =	vadd.f32 v53, v10;
	[tilespmem:s19+$0x8320] =	vst v5  }
0x6b: {  	s15 =	sshrl.u32 s30, $0x1C;
	p0 =	por !p1, !p0;
	v59 =	vadd.f32 v24, v9;
	v61 =	vadd.f32 v54, v57;
	[tilespmem:s19+$0x8330] =	vst v58  }
0x6c: {  	s31 =	sadd.s32 s15, s0;
	s15 =	simm.s32 $0x1;
	p0 =	por !p0, !p0;
	v4 =	vadd.f32 v56, v4;
	[tilespmem:s19+$0x8340] =	vst v60  }
0x6d: {  	s0 =	sshrl.u32 s31, $0x4;
	s15 =	simm.s32 @!p0 $0x0;
	v62 =	vadd.f32 v55, v59;
	[tilespmem:s19+$0x8350] =	vst v61  }
0x6e: {  	s0 =	ssub.s32 s0, s15;
	[tilespmem:s19+$0x8370] =	vst v4  }
0x6f: {  	s0 =	sshll.u32 s0, $0x4;
	[tilespmem:s19+$0x8360] =	vst v62  }
0x70: {  	v4 =	vld [tilespmem:s0+$0xA300]  }
0x71: {  	v3 =	vbroadcast v3, $0x0  }
0x72: {  	v63 =	vor.u32 s0, v1  }
.Ltmp7:
0x73: {  	vm0 =	veq.s32 v63, v3;
	(pc) =	sbr.rel .LBB2_15-.Ltmp7, $3  }
0x74: {  	v3 =	vsel vm0, $0x42FA0000, v0  }
0x75: {  	v3 =	vadd.f32 v4, v3;
	_ =	sdelay $0x1  }
0x76: {  	[tilespmem:s0+$0xA300] =	vst v3  }
.LBB2_12:
0x77: {  	s0 =	sadd.s32 $0x0, s25  }
0x78: {  	v3 =	vld [tilespmem:s0+$0x0];
	_ =	sdelay $0x4  }
0x79: {  	(v2sf) =	vpush v3, $0x0;
	_ =	sdelay $0xe  }
0x7a: {  	s19 =	spop (v2sf)  }
0x7b: {  	s2 =	sshll.u32 s19, $0x9  }
0x7c: {  	v4 =	vld [tilespmem:s30+$0xFFFFFFC0];
	s2 =	sshra.s32 s2, $0x2  }
0x7d: {  	v5 =	vld [tilespmem:s2+$0x8300];
	_ =	sdelay $0x4  }
0x7e: {  	v4 =	vadd.f32 v4, v5;
	_ =	sdelay $0x1  }
0x7f: {  	[tilespmem:s2+$0x8300] =	vst v4;
	v4 =	vld [tilespmem:s2+$0x8310]  }
0x80: {  	v5 =	vld [tilespmem:s30+$0xFFFFFFD0];
	_ =	sdelay $0x4  }
0x81: {  	v4 =	vadd.f32 v5, v4;
	_ =	sdelay $0x1  }
0x82: {  	[tilespmem:s2+$0x8310] =	vst v4;
	v4 =	vld [tilespmem:s2+$0x8320]  }
0x83: {  	v5 =	vld [tilespmem:s30+$0xFFFFFFE0];
	_ =	sdelay $0x4  }
0x84: {  	v4 =	vadd.f32 v5, v4;
	_ =	sdelay $0x1  }
0x85: {  	[tilespmem:s2+$0x8320] =	vst v4;
	v4 =	vld [tilespmem:s2+$0x8330]  }
0x86: {  	v5 =	vld [tilespmem:s30+$0xFFFFFFF0];
	_ =	sdelay $0x4  }
0x87: {  	v4 =	vadd.f32 v5, v4;
	_ =	sdelay $0x1  }
0x88: {  	[tilespmem:s2+$0x8330] =	vst v4;
	v4 =	vld [tilespmem:s2+$0x8340]  }
0x89: {  	v5 =	vld [tilespmem:s30+$0x0];
	_ =	sdelay $0x4  }
0x8a: {  	v4 =	vadd.f32 v5, v4;
	_ =	sdelay $0x1  }
0x8b: {  	[tilespmem:s2+$0x8340] =	vst v4;
	v4 =	vld [tilespmem:s2+$0x8350]  }
0x8c: {  	v5 =	vld [tilespmem:s30+$0x10];
	_ =	sdelay $0x4  }
0x8d: {  	v4 =	vadd.f32 v5, v4;
	_ =	sdelay $0x1  }
0x8e: {  	[tilespmem:s2+$0x8350] =	vst v4;
	v4 =	vld [tilespmem:s2+$0x8360]  }
0x8f: {  	v5 =	vld [tilespmem:s30+$0x20];
	_ =	sdelay $0x4  }
0x90: {  	v4 =	vadd.f32 v5, v4;
	_ =	sdelay $0x1  }
0x91: {  	[tilespmem:s2+$0x8360] =	vst v4;
	v4 =	vld [tilespmem:s2+$0x8370]  }
0x92: {  	v5 =	vld [tilespmem:s30+$0x30]  }
0x93: {  	s15 =	sand.u32 $0xF, s19  }
0x94: {  	s31 =	sshra.s32 s19, $0x1F;
	p0 =	slt.s32 s19, $0x1;
	p1 =	sne.s32 s15, $0x0  }
0x95: {  	s21 =	sshrl.u32 s31, $0x1C;
	p0 =	por !p0, !p1  }
0x96: {  	s15 =	simm.s32 $0x1;
	s0 =	sadd.s32 s21, s19;
	p0 =	por !p0, !p0  }
0x97: {  	s0 =	sshrl.u32 s0, $0x4;
	s15 =	simm.s32 @!p0 $0x0;
	v4 =	vadd.f32 v5, v4  }
0x98: {  	s0 =	ssub.s32 s0, s15  }
0x99: {  	[tilespmem:s2+$0x8370] =	vst v4;
	s2 =	sshll.u32 s0, $0x4  }
0x9a: {  	v4 =	vld [tilespmem:s2+$0xA300]  }
0x9b: {  	v3 =	vbroadcast v3, $0x0  }
0x9c: {  	v5 =	vor.u32 s2, v1  }
0x9d: {  	vm0 =	veq.s32 v5, v3  }
0x9e: {  	v3 =	vsel vm0, $0x3F800000, v0  }
0x9f: {  	s31 =	simm.s32 $0x1;
	s15 =	simm.s32 $0x8;
	v3 =	vadd.f32 v4, v3  }
.LBB2_13:
0xa0: {  	s19 =	sadd.s32 s31, s25  }
0xa1: {  	[tilespmem:s2+$0xA300] =	vst v3;
	s30 =	sadd.s32 $0x100, s30;
	s31 =	smov.u32 s15;
	s0 =	sadd.s32 $0x4, s15  }
0xa2: {  	p0 =	sne.s32 s15, $0x1F0;
	v3 =	vld [tilespmem:s19+$0x0];
	_ =	sdelay $0x4  }
0xa3: {  	(v2sf) =	vpush v3, $0x0;
	_ =	sdelay $0xe  }
0xa4: {  	s15 =	spop (v2sf)  }
0xa5: {  	s2 =	sshll.u32 s15, $0x9;
	s19 =	sshra.s32 s15, $0x1F;
	s21 =	sand.u32 $0xF, s15  }
0xa6: {  	p1 =	slt.s32 s15, $0x1;
	s2 =	sshra.s32 s2, $0x2;
	v4 =	vld [tilespmem:s30+$0xFFFFFFC0];
	p2 =	sne.s32 s21, $0x0  }
0xa7: {  	s19 =	sshrl.u32 s19, $0x1C;
	v5 =	vld [tilespmem:s2+$0x8300];
	p1 =	por !p1, !p2  }
0xa8: {  	s15 =	sadd.s32 s19, s15;
	s19 =	simm.s32 $0x1;
	p1 =	por !p1, !p1  }
0xa9: {  	s15 =	sshrl.u32 s15, $0x4;
	s19 =	simm.s32 @!p1 $0x0  }
0xaa: {  	s15 =	ssub.s32 s15, s19;
	_ =	sdelay $0x1  }
0xab: {  	v4 =	vadd.f32 v4, v5;
	_ =	sdelay $0x1  }
0xac: {  	[tilespmem:s2+$0x8300] =	vst v4;
	v4 =	vld [tilespmem:s2+$0x8310]  }
0xad: {  	v5 =	vld [tilespmem:s30+$0xFFFFFFD0];
	_ =	sdelay $0x4  }
0xae: {  	v4 =	vadd.f32 v5, v4;
	_ =	sdelay $0x1  }
0xaf: {  	[tilespmem:s2+$0x8310] =	vst v4;
	v4 =	vld [tilespmem:s2+$0x8320]  }
0xb0: {  	v5 =	vld [tilespmem:s30+$0xFFFFFFE0];
	_ =	sdelay $0x4  }
0xb1: {  	v4 =	vadd.f32 v5, v4;
	_ =	sdelay $0x1  }
0xb2: {  	[tilespmem:s2+$0x8320] =	vst v4;
	v4 =	vld [tilespmem:s2+$0x8330]  }
0xb3: {  	v5 =	vld [tilespmem:s30+$0xFFFFFFF0];
	_ =	sdelay $0x4  }
0xb4: {  	v4 =	vadd.f32 v5, v4;
	_ =	sdelay $0x1  }
0xb5: {  	[tilespmem:s2+$0x8330] =	vst v4;
	v4 =	vld [tilespmem:s2+$0x8340]  }
0xb6: {  	v5 =	vld [tilespmem:s30+$0x0];
	_ =	sdelay $0x4  }
0xb7: {  	v4 =	vadd.f32 v5, v4;
	_ =	sdelay $0x1  }
0xb8: {  	[tilespmem:s2+$0x8340] =	vst v4;
	v4 =	vld [tilespmem:s2+$0x8350]  }
0xb9: {  	v5 =	vld [tilespmem:s30+$0x10];
	_ =	sdelay $0x4  }
0xba: {  	v4 =	vadd.f32 v5, v4;
	_ =	sdelay $0x1  }
0xbb: {  	[tilespmem:s2+$0x8350] =	vst v4;
	v4 =	vld [tilespmem:s2+$0x8360]  }
0xbc: {  	v5 =	vld [tilespmem:s30+$0x20];
	_ =	sdelay $0x4  }
0xbd: {  	v4 =	vadd.f32 v5, v4;
	_ =	sdelay $0x1  }
0xbe: {  	[tilespmem:s2+$0x8360] =	vst v4;
	v4 =	vld [tilespmem:s2+$0x8370]  }
0xbf: {  	v5 =	vld [tilespmem:s30+$0x30];
	_ =	sdelay $0x4  }
0xc0: {  	v4 =	vadd.f32 v5, v4;
	_ =	sdelay $0x1  }
0xc1: {  	v3 =	vbroadcast v3, $0x0;
	[tilespmem:s2+$0x8370] =	vst v4;
	s2 =	sshll.u32 s15, $0x4  }
0xc2: {  	v4 =	vld [tilespmem:s2+$0xA300];
	v5 =	vor.u32 s2, v1  }
0xc3: {  	vm0 =	veq.s32 v5, v3  }
.Ltmp8:
0xc4: {  	(pc) =	sbr.rel @p0 .LBB2_13-.Ltmp8, $4  }
0xc5: {  	_ = 	snop  }
0xc6: {  	v3 =	vsel vm0, $0x3F800000, v0  }
0xc7: {  	v3 =	vadd.f32 v4, v3  }
0xc8: {  	s31 =	sshra.s32 s31, $0x2;
	s15 =	smov.u32 s0  }
0xc9: {  	s0 =	sadd.s32 s31, s25;
	[tilespmem:s2+$0xA300] =	vst v3  }
0xca: {  	v3 =	vld [tilespmem:s0+$0x0];
	_ =	sdelay $0x4  }
0xcb: {  	(v2sf) =	vpush v3, $0x0;
	_ =	sdelay $0xe  }
0xcc: {  	s0 =	spop (v2sf)  }
0xcd: {  	s21 =	sadd.s32 $0x100, s30;
	s15 =	sshll.u32 s0, $0x9  }
0xce: {  	v4 =	vld [tilespmem:s21+$0xFFFFFFC0];
	s15 =	sshra.s32 s15, $0x2  }
0xcf: {  	v5 =	vld [tilespmem:s15+$0x8300];
	_ =	sdelay $0x4  }
0xd0: {  	v4 =	vadd.f32 v4, v5;
	_ =	sdelay $0x1  }
0xd1: {  	v49 =	vld [tilespmem:s15+$0x8310];
	[tilespmem:s15+$0x8300] =	vst v4  }
0xd2: {  	v50 =	vld [tilespmem:s21+$0xFFFFFFD0];
	_ =	sdelay $0x4  }
0xd3: {  	v4 =	vadd.f32 v50, v49;
	_ =	sdelay $0x1  }
0xd4: {  	v51 =	vld [tilespmem:s15+$0x8320];
	[tilespmem:s15+$0x8310] =	vst v4  }
0xd5: {  	v52 =	vld [tilespmem:s21+$0xFFFFFFE0];
	_ =	sdelay $0x4  }
0xd6: {  	v4 =	vadd.f32 v52, v51;
	_ =	sdelay $0x1  }
0xd7: {  	v53 =	vld [tilespmem:s15+$0x8330];
	[tilespmem:s15+$0x8320] =	vst v4  }
0xd8: {  	v54 =	vld [tilespmem:s21+$0xFFFFFFF0];
	_ =	sdelay $0x4  }
0xd9: {  	v4 =	vadd.f32 v54, v53;
	_ =	sdelay $0x1  }
0xda: {  	v55 =	vld [tilespmem:s15+$0x8340];
	[tilespmem:s15+$0x8330] =	vst v4  }
0xdb: {  	v56 =	vld [tilespmem:s21+$0x0];
	_ =	sdelay $0x4  }
0xdc: {  	v4 =	vadd.f32 v56, v55;
	_ =	sdelay $0x1  }
0xdd: {  	v57 =	vld [tilespmem:s15+$0x8350];
	[tilespmem:s15+$0x8340] =	vst v4  }
0xde: {  	v58 =	vld [tilespmem:s21+$0x10];
	_ =	sdelay $0x4  }
0xdf: {  	v4 =	vadd.f32 v58, v57;
	_ =	sdelay $0x1  }
0xe0: {  	v59 =	vld [tilespmem:s15+$0x8360];
	[tilespmem:s15+$0x8350] =	vst v4  }
0xe1: {  	v60 =	vld [tilespmem:s21+$0x20];
	_ =	sdelay $0x4  }
0xe2: {  	v4 =	vadd.f32 v60, v59;
	_ =	sdelay $0x1  }
0xe3: {  	v61 =	vld [tilespmem:s15+$0x8370];
	[tilespmem:s15+$0x8360] =	vst v4  }
0xe4: {  	v62 =	vld [tilespmem:s21+$0x30]  }
0xe5: {  	s30 =	sand.u32 $0xF, s0  }
0xe6: {  	s19 =	sshra.s32 s0, $0x1F;
	p0 =	slt.s32 s0, $0x1;
	p1 =	sne.s32 s30, $0x0  }
0xe7: {  	s31 =	sshrl.u32 s19, $0x1C;
	p0 =	por !p0, !p1  }
0xe8: {  	s2 =	simm.s32 $0x1;
	s0 =	sadd.s32 s31, s0;
	p0 =	por !p0, !p0  }
0xe9: {  	s0 =	sshrl.u32 s0, $0x4;
	s2 =	simm.s32 @!p0 $0x0;
	v4 =	vadd.f32 v62, v61  }
0xea: {  	s0 =	ssub.s32 s0, s2  }
0xeb: {  	s0 =	sshll.u32 s0, $0x4;
	[tilespmem:s15+$0x8370] =	vst v4  }
0xec: {  	v4 =	vld [tilespmem:s0+$0xA300]  }
0xed: {  	v3 =	vbroadcast v3, $0x0  }
0xee: {  	v63 =	vor.u32 s0, v1  }
0xef: {  	vm0 =	veq.s32 v63, v3  }
0xf0: {  	v3 =	vsel vm0, $0x3F800000, v0  }
0xf1: {  	v3 =	vadd.f32 v4, v3;
	_ =	sdelay $0x1  }
0xf2: {  	[tilespmem:s0+$0xA300] =	vst v3  }
.LBB2_15:
0xf3: {  	p0 =	seq.s32 s26, $0x5  }
.Ltmp9:
0xf4: {  	_ = 	snop;
	(pc) =	sbr.rel @p0 .LBB2_19-.Ltmp9, $1  }
0xf5: {  	_ =	sdelay $0x3  }
0xf6: {  	s0 =	sadd.s32 s28, s8  }
0xf7: {  	s0 =	sshll.u32 s0, $0x4  }
0xf8: {  	s0 =	sand.u32 $0x1FFFFFE0, s0  }
0xf9: {  	s2 =	simm.s32 $0x0;
	s0 =	sadd.s32 s1, s0  }
0xfa: {  	s15 =	simm.s32 $0x10;
	s30 =	simm.s32 $0x100;
	s31 =	sadd.s32 $0x0, s0  }
.LBB2_17:
0xfb: {  	[tilespmem:s2], [sflag:$0x1] =	stream.linear.gather [hbm4b:s31+s3], $0x80, $0x38;
	[tilespmem:$0xA380] =	vst v63  }
0xfc: {  	s19 =	smov.u32 s15;
	s2 =	smov.u32 s30;
	p1 =	sne.s32 s15, $0x7C0  }
.Ltmp10:
0xfd: {  	s15 =	sadd.s32 $0x10, s15;
	(pc) =	sbr.rel @p1 .LBB2_17-.Ltmp10, $2  }
0xfe: {  	_ =	sdelay $0x2  }
0xff: {  	s30 =	sadd.s32 $0x100, s30;
	s31 =	sadd.s32 s19, s0  }
0x100: {  	[tilespmem:s2], [sflag:$0x1] =	stream.linear.gather [hbm4b:s31+s3], $0x80, $0x38;
	[tilespmem:$0xA380] =	vst v63  }
.LBB2_19:
0x101: {  	_ =	swait.ge [sflag:s18], $0x3E80  }
0x102: {  	[sflag:s18] =	ssyncset.done $0x0  }
0x103: {  	[sflag:s18] =	ssyncadd.s32 $0xFFFFC180  }
0x104: {  	v3 =	vld [tilespmem:s29+$0x7D]  }
0x105: {  	v4 =	vld [tilespmem:s29+$0xEA];
	_ =	sdelay $0x3  }
0x106: {  	(v2sf) =	vpush v3, $0x0  }
0x107: {  	(v2sf) =	vpush v4, $0xF;
	_ =	sdelay $0xd  }
0x108: {  	s0 =	spop (v2sf)  }
0x109: {  	s2 =	spop (v2sf)  }
0x10a: {  	p1 =	sne.s32 s0, s2  }
.Ltmp11:
0x10b: {  	_ = 	snop;
	(pc) =	sbr.rel @p1 .LBB2_23-.Ltmp11, $2  }
0x10c: {  	_ =	sdelay $0x2  }
0x10d: {  	v5 =	vimm.f32 $0.0e+00;
	s29 =	simm.s32 $0xF0;
	s2 =	simm.s32 $0x0  }
0x10e: {  	s19 =	sshra.s32 s2, $0x2  }
0x10f: {  	v4 =	vld [tilespmem:s19+$0xF0]  }
0x110: {  	v6 =	vld [tilespmem:s19+$0x80]  }
0x111: {  	v8 =	vld [tilespmem:s19+$0x90]  }
0x112: {  	v12 =	vld [tilespmem:s19+$0xA0]  }
0x113: {  	v10 =	vld [tilespmem:s19+$0xB0]  }
0x114: {  	v14 =	vimm.f32 $0.0e+00;
	v11 =	vld [tilespmem:s19+$0xC0]  }
0x115: {  	s15 =	sadd.s32 $0x400, s2;
	v13 =	vimm.f32 $0.0e+00;
	v9 =	vimm.f32 $0.0e+00;
	v15 =	vld [tilespmem:s19+$0xD0];
	v4 =	vadd.f32 v4, v5  }
0x116: {  	s2 =	sshra.s32 s15, $0x2;
	s15 =	sadd.s32 $0x400, s15;
	v16 =	vld [tilespmem:s19+$0xE0];
	v7 =	vadd.f32 v6, v5;
	v6 =	vadd.f32 v8, v5;
	v8 =	vimm.f32 $0.0e+00  }
.LBB2_21:
0x117: {  	p1 =	sne.s32 s15, $0x1F000;
	v17 =	vld [tilespmem:s2+$0xF0];
	v5 =	vadd.f32 v12, v5  }
0x118: {  	v18 =	vld [tilespmem:s2+$0x80];
	v8 =	vadd.f32 v10, v8  }
0x119: {  	v19 =	vld [tilespmem:s2+$0x90];
	v14 =	vadd.f32 v11, v14  }
.Ltmp12:
0x11a: {  	v12 =	vld [tilespmem:s2+$0xA0];
	v13 =	vadd.f32 v15, v13;
	(pc) =	sbr.rel @p1 .LBB2_21-.Ltmp12, $4  }
0x11b: {  	v10 =	vld [tilespmem:s2+$0xB0];
	v9 =	vadd.f32 v16, v9  }
0x11c: {  	v11 =	vld [tilespmem:s2+$0xC0];
	v4 =	vadd.f32 v17, v4  }
0x11d: {  	v7 =	vadd.f32 v18, v7;
	v15 =	vld [tilespmem:s2+$0xD0]  }
0x11e: {  	v6 =	vadd.f32 v19, v6;
	v16 =	vld [tilespmem:s2+$0xE0];
	s2 =	sshra.s32 s15, $0x2;
	s15 =	sadd.s32 $0x400, s15  }
0x11f: {  	v17 =	vld [tilespmem:s2+$0xF0]  }
0x120: {  	v18 =	vld [tilespmem:s2+$0x80]  }
0x121: {  	v19 =	vld [tilespmem:s2+$0x90]  }
0x122: {  	v20 =	vld [tilespmem:s2+$0xA0]  }
0x123: {  	v21 =	vld [tilespmem:s2+$0xB0]  }
0x124: {  	v22 =	vld [tilespmem:s2+$0xC0]  }
0x125: {  	v23 =	vld [tilespmem:s2+$0xD0];
	s15 =	sshll.u32 s0, $0x9  }
0x126: {  	v24 =	vld [tilespmem:s2+$0xE0];
	s21 =	sshra.s32 s15, $0x2  }
0x127: {  	v25 =	vld [tilespmem:s21+$0x8300]  }
0x128: {  	v5 =	vadd.f32 v12, v5;
	v49 =	vld [tilespmem:s21+$0x8310]  }
0x129: {  	v8 =	vadd.f32 v10, v8;
	v50 =	vadd.f32 v11, v14;
	v51 =	vld [tilespmem:s21+$0x8320]  }
0x12a: {  	v52 =	vld [tilespmem:s21+$0x8330];
	v13 =	vadd.f32 v15, v13;
	v7 =	vadd.f32 v18, v7  }
0x12b: {  	v53 =	vld [tilespmem:s21+$0x8340];
	v9 =	vadd.f32 v16, v9;
	v6 =	vadd.f32 v19, v6  }
0x12c: {  	v54 =	vld [tilespmem:s21+$0x8350];
	v5 =	vadd.f32 v20, v5;
	v7 =	vadd.f32 v25, v7  }
0x12d: {  	v56 =	vld [tilespmem:s21+$0x8370];
	v8 =	vadd.f32 v21, v8;
	v6 =	vadd.f32 v49, v6  }
0x12e: {  	v55 =	vld [tilespmem:s21+$0x8360];
	v10 =	vadd.f32 v22, v50;
	v5 =	vadd.f32 v51, v5;
	[tilespmem:s21+$0x8300] =	vst v7  }
0x12f: {  	s29 =	sand.u32 $0xF, s0;
	v57 =	vadd.f32 v23, v13;
	v58 =	vadd.f32 v52, v8;
	[tilespmem:s21+$0x8310] =	vst v6  }
0x130: {  	s30 =	sshra.s32 s0, $0x1F;
	p2 =	slt.s32 s0, $0x1;
	p1 =	sne.s32 s29, $0x0;
	v4 =	vadd.f32 v17, v4;
	v60 =	vadd.f32 v53, v10;
	[tilespmem:s21+$0x8320] =	vst v5  }
0x131: {  	s15 =	sshrl.u32 s30, $0x1C;
	p1 =	por !p2, !p1;
	v59 =	vadd.f32 v24, v9;
	v61 =	vadd.f32 v54, v57;
	[tilespmem:s21+$0x8330] =	vst v58  }
0x132: {  	s31 =	sadd.s32 s15, s0;
	s15 =	simm.s32 $0x1;
	p1 =	por !p1, !p1;
	v4 =	vadd.f32 v56, v4;
	[tilespmem:s21+$0x8340] =	vst v60  }
0x133: {  	s0 =	sshrl.u32 s31, $0x4;
	s15 =	simm.s32 @!p1 $0x0;
	v62 =	vadd.f32 v55, v59;
	[tilespmem:s21+$0x8350] =	vst v61  }
0x134: {  	s0 =	ssub.s32 s0, s15;
	[tilespmem:s21+$0x8370] =	vst v4  }
0x135: {  	s0 =	sshll.u32 s0, $0x4;
	[tilespmem:s21+$0x8360] =	vst v62  }
0x136: {  	v4 =	vld [tilespmem:s0+$0xA300]  }
0x137: {  	v3 =	vbroadcast v3, $0x0  }
0x138: {  	v63 =	vor.u32 s0, v1  }
.Ltmp13:
0x139: {  	vm0 =	veq.s32 v63, v3;
	(pc) =	sbr.rel .LBB2_26-.Ltmp13, $3  }
0x13a: {  	v3 =	vsel vm0, $0x42FA0000, v0  }
0x13b: {  	v3 =	vadd.f32 v4, v3;
	_ =	sdelay $0x1  }
0x13c: {  	[tilespmem:s0+$0xA300] =	vst v3  }
.LBB2_23:
0x13d: {  	s0 =	sadd.s32 $0x0, s24  }
0x13e: {  	v3 =	vld [tilespmem:s0+$0x0];
	_ =	sdelay $0x4  }
0x13f: {  	(v2sf) =	vpush v3, $0x0;
	_ =	sdelay $0xe  }
0x140: {  	s21 =	spop (v2sf)  }
0x141: {  	s2 =	sshll.u32 s21, $0x9  }
0x142: {  	v4 =	vld [tilespmem:s29+$0xFFFFFF90];
	s2 =	sshra.s32 s2, $0x2  }
0x143: {  	v5 =	vld [tilespmem:s2+$0x8300];
	_ =	sdelay $0x4  }
0x144: {  	v4 =	vadd.f32 v4, v5;
	_ =	sdelay $0x1  }
0x145: {  	[tilespmem:s2+$0x8300] =	vst v4;
	v4 =	vld [tilespmem:s2+$0x8310]  }
0x146: {  	v5 =	vld [tilespmem:s29+$0xFFFFFFA0];
	_ =	sdelay $0x4  }
0x147: {  	v4 =	vadd.f32 v5, v4;
	_ =	sdelay $0x1  }
0x148: {  	[tilespmem:s2+$0x8310] =	vst v4;
	v4 =	vld [tilespmem:s2+$0x8320]  }
0x149: {  	v5 =	vld [tilespmem:s29+$0xFFFFFFB0];
	_ =	sdelay $0x4  }
0x14a: {  	v4 =	vadd.f32 v5, v4;
	_ =	sdelay $0x1  }
0x14b: {  	[tilespmem:s2+$0x8320] =	vst v4;
	v4 =	vld [tilespmem:s2+$0x8330]  }
0x14c: {  	v5 =	vld [tilespmem:s29+$0xFFFFFFC0];
	_ =	sdelay $0x4  }
0x14d: {  	v4 =	vadd.f32 v5, v4;
	_ =	sdelay $0x1  }
0x14e: {  	[tilespmem:s2+$0x8330] =	vst v4;
	v4 =	vld [tilespmem:s2+$0x8340]  }
0x14f: {  	v5 =	vld [tilespmem:s29+$0xFFFFFFD0];
	_ =	sdelay $0x4  }
0x150: {  	v4 =	vadd.f32 v5, v4;
	_ =	sdelay $0x1  }
0x151: {  	[tilespmem:s2+$0x8340] =	vst v4;
	v4 =	vld [tilespmem:s2+$0x8350]  }
0x152: {  	v5 =	vld [tilespmem:s29+$0xFFFFFFE0];
	_ =	sdelay $0x4  }
0x153: {  	v4 =	vadd.f32 v5, v4;
	_ =	sdelay $0x1  }
0x154: {  	[tilespmem:s2+$0x8350] =	vst v4;
	v4 =	vld [tilespmem:s2+$0x8360]  }
0x155: {  	v5 =	vld [tilespmem:s29+$0xFFFFFFF0];
	_ =	sdelay $0x4  }
0x156: {  	v4 =	vadd.f32 v5, v4;
	_ =	sdelay $0x1  }
0x157: {  	[tilespmem:s2+$0x8360] =	vst v4;
	v4 =	vld [tilespmem:s2+$0x8370]  }
0x158: {  	v5 =	vld [tilespmem:s29+$0x0]  }
0x159: {  	s15 =	sand.u32 $0xF, s21  }
0x15a: {  	s19 =	sshra.s32 s21, $0x1F;
	p1 =	slt.s32 s21, $0x1;
	p2 =	sne.s32 s15, $0x0  }
0x15b: {  	s31 =	sshrl.u32 s19, $0x1C;
	p1 =	por !p1, !p2  }
0x15c: {  	s15 =	simm.s32 $0x1;
	s0 =	sadd.s32 s31, s21;
	p1 =	por !p1, !p1  }
0x15d: {  	s0 =	sshrl.u32 s0, $0x4;
	s15 =	simm.s32 @!p1 $0x0;
	v4 =	vadd.f32 v5, v4  }
0x15e: {  	s0 =	ssub.s32 s0, s15  }
0x15f: {  	[tilespmem:s2+$0x8370] =	vst v4;
	s2 =	sshll.u32 s0, $0x4  }
0x160: {  	v4 =	vld [tilespmem:s2+$0xA300]  }
0x161: {  	v3 =	vbroadcast v3, $0x0  }
0x162: {  	v5 =	vor.u32 s2, v1  }
0x163: {  	vm0 =	veq.s32 v5, v3  }
0x164: {  	v3 =	vsel vm0, $0x3F800000, v0  }
0x165: {  	s30 =	simm.s32 $0x1;
	s15 =	simm.s32 $0x8;
	v3 =	vadd.f32 v4, v3  }
.LBB2_24:
0x166: {  	s19 =	sadd.s32 s30, s24  }
0x167: {  	[tilespmem:s2+$0xA300] =	vst v3;
	s29 =	sadd.s32 $0x100, s29;
	s30 =	smov.u32 s15;
	s0 =	sadd.s32 $0x4, s15  }
0x168: {  	p1 =	sne.s32 s15, $0x1F0;
	v3 =	vld [tilespmem:s19+$0x0];
	_ =	sdelay $0x4  }
0x169: {  	(v2sf) =	vpush v3, $0x0;
	_ =	sdelay $0xe  }
0x16a: {  	s15 =	spop (v2sf)  }
0x16b: {  	s2 =	sshll.u32 s15, $0x9;
	s19 =	sshra.s32 s15, $0x1F;
	s21 =	sand.u32 $0xF, s15  }
0x16c: {  	p2 =	slt.s32 s15, $0x1;
	s2 =	sshra.s32 s2, $0x2;
	v4 =	vld [tilespmem:s29+$0xFFFFFF90];
	p3 =	sne.s32 s21, $0x0  }
0x16d: {  	s19 =	sshrl.u32 s19, $0x1C;
	v5 =	vld [tilespmem:s2+$0x8300];
	p2 =	por !p2, !p3  }
0x16e: {  	s15 =	sadd.s32 s19, s15;
	s19 =	simm.s32 $0x1;
	p2 =	por !p2, !p2  }
0x16f: {  	s15 =	sshrl.u32 s15, $0x4;
	s19 =	simm.s32 @!p2 $0x0  }
0x170: {  	s15 =	ssub.s32 s15, s19;
	_ =	sdelay $0x1  }
0x171: {  	v4 =	vadd.f32 v4, v5;
	_ =	sdelay $0x1  }
0x172: {  	[tilespmem:s2+$0x8300] =	vst v4;
	v4 =	vld [tilespmem:s2+$0x8310]  }
0x173: {  	v5 =	vld [tilespmem:s29+$0xFFFFFFA0];
	_ =	sdelay $0x4  }
0x174: {  	v4 =	vadd.f32 v5, v4;
	_ =	sdelay $0x1  }
0x175: {  	[tilespmem:s2+$0x8310] =	vst v4;
	v4 =	vld [tilespmem:s2+$0x8320]  }
0x176: {  	v5 =	vld [tilespmem:s29+$0xFFFFFFB0];
	_ =	sdelay $0x4  }
0x177: {  	v4 =	vadd.f32 v5, v4;
	_ =	sdelay $0x1  }
0x178: {  	[tilespmem:s2+$0x8320] =	vst v4;
	v4 =	vld [tilespmem:s2+$0x8330]  }
0x179: {  	v5 =	vld [tilespmem:s29+$0xFFFFFFC0];
	_ =	sdelay $0x4  }
0x17a: {  	v4 =	vadd.f32 v5, v4;
	_ =	sdelay $0x1  }
0x17b: {  	[tilespmem:s2+$0x8330] =	vst v4;
	v4 =	vld [tilespmem:s2+$0x8340]  }
0x17c: {  	v5 =	vld [tilespmem:s29+$0xFFFFFFD0];
	_ =	sdelay $0x4  }
0x17d: {  	v4 =	vadd.f32 v5, v4;
	_ =	sdelay $0x1  }
0x17e: {  	[tilespmem:s2+$0x8340] =	vst v4;
	v4 =	vld [tilespmem:s2+$0x8350]  }
0x17f: {  	v5 =	vld [tilespmem:s29+$0xFFFFFFE0];
	_ =	sdelay $0x4  }
0x180: {  	v4 =	vadd.f32 v5, v4;
	_ =	sdelay $0x1  }
0x181: {  	[tilespmem:s2+$0x8350] =	vst v4;
	v4 =	vld [tilespmem:s2+$0x8360]  }
0x182: {  	v5 =	vld [tilespmem:s29+$0xFFFFFFF0];
	_ =	sdelay $0x4  }
0x183: {  	v4 =	vadd.f32 v5, v4;
	_ =	sdelay $0x1  }
0x184: {  	[tilespmem:s2+$0x8360] =	vst v4;
	v4 =	vld [tilespmem:s2+$0x8370]  }
0x185: {  	v5 =	vld [tilespmem:s29+$0x0];
	_ =	sdelay $0x4  }
0x186: {  	v4 =	vadd.f32 v5, v4;
	_ =	sdelay $0x1  }
0x187: {  	v3 =	vbroadcast v3, $0x0;
	[tilespmem:s2+$0x8370] =	vst v4;
	s2 =	sshll.u32 s15, $0x4  }
0x188: {  	v4 =	vld [tilespmem:s2+$0xA300];
	v5 =	vor.u32 s2, v1  }
0x189: {  	vm0 =	veq.s32 v5, v3  }
.Ltmp14:
0x18a: {  	(pc) =	sbr.rel @p1 .LBB2_24-.Ltmp14, $4  }
0x18b: {  	_ = 	snop  }
0x18c: {  	v3 =	vsel vm0, $0x3F800000, v0  }
0x18d: {  	v3 =	vadd.f32 v4, v3  }
0x18e: {  	s30 =	sshra.s32 s30, $0x2;
	s15 =	smov.u32 s0  }
0x18f: {  	s0 =	sadd.s32 s30, s24;
	[tilespmem:s2+$0xA300] =	vst v3  }
0x190: {  	v3 =	vld [tilespmem:s0+$0x0];
	_ =	sdelay $0x4  }
0x191: {  	(v2sf) =	vpush v3, $0x0;
	_ =	sdelay $0xe  }
0x192: {  	s21 =	spop (v2sf)  }
0x193: {  	s29 =	sadd.s32 $0x100, s29;
	s15 =	sshll.u32 s21, $0x9  }
0x194: {  	v4 =	vld [tilespmem:s29+$0xFFFFFF90];
	s15 =	sshra.s32 s15, $0x2  }
0x195: {  	v5 =	vld [tilespmem:s15+$0x8300];
	_ =	sdelay $0x4  }
0x196: {  	v4 =	vadd.f32 v4, v5;
	_ =	sdelay $0x1  }
0x197: {  	v49 =	vld [tilespmem:s15+$0x8310];
	[tilespmem:s15+$0x8300] =	vst v4  }
0x198: {  	v50 =	vld [tilespmem:s29+$0xFFFFFFA0];
	_ =	sdelay $0x4  }
0x199: {  	v4 =	vadd.f32 v50, v49;
	_ =	sdelay $0x1  }
0x19a: {  	v51 =	vld [tilespmem:s15+$0x8320];
	[tilespmem:s15+$0x8310] =	vst v4  }
0x19b: {  	v52 =	vld [tilespmem:s29+$0xFFFFFFB0];
	_ =	sdelay $0x4  }
0x19c: {  	v4 =	vadd.f32 v52, v51;
	_ =	sdelay $0x1  }
0x19d: {  	v53 =	vld [tilespmem:s15+$0x8330];
	[tilespmem:s15+$0x8320] =	vst v4  }
0x19e: {  	v54 =	vld [tilespmem:s29+$0xFFFFFFC0];
	_ =	sdelay $0x4  }
0x19f: {  	v4 =	vadd.f32 v54, v53;
	_ =	sdelay $0x1  }
0x1a0: {  	v55 =	vld [tilespmem:s15+$0x8340];
	[tilespmem:s15+$0x8330] =	vst v4  }
0x1a1: {  	v56 =	vld [tilespmem:s29+$0xFFFFFFD0];
	_ =	sdelay $0x4  }
0x1a2: {  	v4 =	vadd.f32 v56, v55;
	_ =	sdelay $0x1  }
0x1a3: {  	v57 =	vld [tilespmem:s15+$0x8350];
	[tilespmem:s15+$0x8340] =	vst v4  }
0x1a4: {  	v58 =	vld [tilespmem:s29+$0xFFFFFFE0];
	_ =	sdelay $0x4  }
0x1a5: {  	v4 =	vadd.f32 v58, v57;
	_ =	sdelay $0x1  }
0x1a6: {  	v59 =	vld [tilespmem:s15+$0x8360];
	[tilespmem:s15+$0x8350] =	vst v4  }
0x1a7: {  	v60 =	vld [tilespmem:s29+$0xFFFFFFF0];
	_ =	sdelay $0x4  }
0x1a8: {  	v4 =	vadd.f32 v60, v59;
	_ =	sdelay $0x1  }
0x1a9: {  	v61 =	vld [tilespmem:s15+$0x8370];
	[tilespmem:s15+$0x8360] =	vst v4  }
0x1aa: {  	v62 =	vld [tilespmem:s29+$0x0]  }
0x1ab: {  	s30 =	sand.u32 $0xF, s21  }
0x1ac: {  	s19 =	sshra.s32 s21, $0x1F;
	p1 =	slt.s32 s21, $0x1;
	p2 =	sne.s32 s30, $0x0  }
0x1ad: {  	s31 =	sshrl.u32 s19, $0x1C;
	p1 =	por !p1, !p2  }
0x1ae: {  	s2 =	simm.s32 $0x1;
	s0 =	sadd.s32 s31, s21;
	p1 =	por !p1, !p1  }
0x1af: {  	s0 =	sshrl.u32 s0, $0x4;
	s2 =	simm.s32 @!p1 $0x0;
	v4 =	vadd.f32 v62, v61  }
0x1b0: {  	s0 =	ssub.s32 s0, s2  }
0x1b1: {  	s0 =	sshll.u32 s0, $0x4;
	[tilespmem:s15+$0x8370] =	vst v4  }
0x1b2: {  	v4 =	vld [tilespmem:s0+$0xA300]  }
0x1b3: {  	v3 =	vbroadcast v3, $0x0  }
0x1b4: {  	v63 =	vor.u32 s0, v1  }
0x1b5: {  	vm0 =	veq.s32 v63, v3  }
0x1b6: {  	v3 =	vsel vm0, $0x3F800000, v0  }
0x1b7: {  	v3 =	vadd.f32 v4, v3;
	_ =	sdelay $0x1  }
0x1b8: {  	[tilespmem:s0+$0xA300] =	vst v3  }
.LBB2_26:
.Ltmp15:
0x1b9: {  	(pc) =	sbr.rel @p0 .LBB2_30-.Ltmp15, $1  }
0x1ba: {  	_ =	sdelay $0x3  }
0x1bb: {  	s0 =	sadd.s32 s28, s9  }
0x1bc: {  	s0 =	sshll.u32 s0, $0x4  }
0x1bd: {  	s0 =	sand.u32 $0x1FFFFFF0, s0  }
0x1be: {  	s2 =	simm.s32 $0x80;
	s0 =	sadd.s32 s1, s0  }
0x1bf: {  	s15 =	simm.s32 $0x10;
	s28 =	simm.s32 $0x180;
	s29 =	sadd.s32 $0x0, s0  }
.LBB2_28:
0x1c0: {  	[tilespmem:s2], [sflag:$0x2] =	stream.linear.gather [hbm4b:s29+s3], $0x80, $0x38;
	[tilespmem:$0xA380] =	vst v63  }
0x1c1: {  	s19 =	smov.u32 s15;
	s2 =	smov.u32 s28;
	p0 =	sne.s32 s15, $0x7C0  }
.Ltmp16:
0x1c2: {  	s15 =	sadd.s32 $0x10, s15;
	(pc) =	sbr.rel @p0 .LBB2_28-.Ltmp16, $2  }
0x1c3: {  	_ =	sdelay $0x2  }
0x1c4: {  	s28 =	sadd.s32 $0x100, s28;
	s29 =	sadd.s32 s19, s0  }
.Ltmp17:
0x1c5: {  	(pc) =	sbr.rel .LBB2_8-.Ltmp17, $3  }
0x1c6: {  	_ =	sdelay $0x1  }
0x1c7: {  	[tilespmem:s2], [sflag:$0x2] =	stream.linear.gather [hbm4b:s29+s3], $0x80, $0x38;
	[tilespmem:$0xA380] =	vst v63  }
0x1c8: {  	s26 =	sadd.s32 $0x1, s26;
	s25 =	sadd.s32 $0xFA, s25;
	s24 =	sadd.s32 $0xFA, s24  }
.LBB2_31:
0x1c9: {  	_ =	sfence.sel $0x180000  }
0x1ca: {  	[bflag:$0x0] =	sbarrier.arrive $0xFFFF  }
0x1cb: {  	_ =	strace $0x90000047  }
0x1cc: {  	s0 =	stileid.u32;
	[bflag:$0x2] =	sbarrier.arrive $0xFFFF  }
0x1cd: {  	p0 =	sne.s32 s0, $0x0;
	s0 =	rddreg [dreg:$0x4]  }
0x1ce: {  	s0 =	sadd.s32 @!p0 $0x100000, s0  }
0x1cf: {  	[sflag:s0] =	ssyncadd.tile.s32 @!p0 $0x1;
	_ =	shalt  }
.Lfunc_end2:
_tile_overlayer_lowered:
.L_overlay_start_2:
0x1d0: {  	(tag) =	ssettag $0x2  }
0x1d1: {  	s0 =	rddreg [dreg:$0x0];
	s2 =	stileid.u32  }
0x1d2: {  	s1 =	rddreg [dreg:$0x1];
	p0 =	sne.s32 s2, $0x0  }
0x1d3: {  	s3 =	rddreg [dreg:$0x2];
	[bflag:$0x3] =	sbarrier.arrive $0xFFFF;
	s2 =	simm.s32 @!p0 $0x1C04  }
0x1d4: {  	[timem:s3], [sflag:s2] =	dma.local @!p0 [hbm:s0], s1  }
0x1d5: {  	s0 =	simm.s32 @!p0 $0x4  }
0x1d6: {  	_ =	swait.ge @!p0 [sflag:s0], s1  }
0x1d7: {  	s1 =	ssub.s32 @!p0 $0x0, s1;
	[sflag:s0] =	ssyncset.done @!p0 $0x0  }
0x1d8: {  	[sflag:s0] =	ssyncadd.s32 @!p0 s1  }
0x1d9: {  	[bflag:$0x3] =	sbarrier.arrive $0xFFFF  }
0x1da: {  	_ =	shalt  }

</sc_bundles>
